<compile_context>
chip_gen: v7x
topology: tpu7x:2x2x1
jax: 0.10.2.dev20260603
libtpu: 0.0.44.dev20260713+nightly
codegen_flags: <defaults>
</compile_context>

<pallas_src>
import functools

import jax
import jax.numpy as jnp
from jax import lax
from jax.experimental import pallas as pl
from jax.experimental.pallas import tpu as pltpu
from jax.experimental.pallas import tpu_sc as plsc

VOCAB = 100000
EMB = 64
SEQ = 50
BATCH = 4096

NC = 2
NS = 16
NW = NC * NS

ROWS = BATCH * SEQ
RPW = ROWS // NW
CH = 128
NCH = RPW // CH
CREP = CH + SEQ

NB = 6
LAG = 3

_mesh = plsc.VectorSubcoreMesh(core_axis_name="c", subcore_axis_name="s")

_SCRATCH = (
    [pltpu.VMEM((NCH, CH), jnp.int32)] * 3
    + [pltpu.VMEM((CREP, EMB), jnp.float32)]
    + [pltpu.VMEM((CH, EMB), jnp.float32)] * NB
    + [pltpu.SemaphoreType.DMA] * (3 * NB)
)


def _emb_body(idx_hbm, x_hbm, col_hbm, out_hbm, idx_v, ev_v, od_v, col_v,
              *bufs_and_sems):
    xbufs = bufs_and_sems[:NB]
    gsems = bufs_and_sems[NB:2 * NB]
    ssems = bufs_and_sems[2 * NB:3 * NB]
    csems = bufs_and_sems[3 * NB:4 * NB]

    wid = lax.axis_index("s") * NC + lax.axis_index("c")
    wbase = wid * RPW
    pltpu.sync_copy(idx_hbm.at[pl.ds(wid * NCH, NCH)], idx_v)

    def start_gather(j, b):
        pltpu.async_copy(x_hbm.at[idx_v.at[j]], xbufs[b], gsems[b])

    def wait_gather(j, b):
        pltpu.make_async_copy(x_hbm.at[idx_v.at[j]], xbufs[b],
                              gsems[b]).wait()

    def col_src(j):
        return col_v.at[pl.ds(lax.rem(j * CH, SEQ), CH)]

    def start_scats(j, b):
        pltpu.async_copy(xbufs[b], out_hbm.at[ev_v.at[j]], ssems[b])
        pltpu.async_copy(col_src(j), out_hbm.at[od_v.at[j]], csems[b])

    def wait_scats(j, b):
        pltpu.make_async_copy(xbufs[b], out_hbm.at[ev_v.at[j]],
                              ssems[b]).wait()
        pltpu.make_async_copy(col_src(j), out_hbm.at[od_v.at[j]],
                              csems[b]).wait()

    lanes = lax.iota(jnp.int32, 16)

    def build(j, carry):
        base = wbase + j * CH
        for k in range(CH // 16):
            r = base + k * 16 + lanes
            p = lax.rem(r, SEQ) * BATCH + lax.div(r, SEQ)
            ev_v[j, pl.ds(k * 16, 16)] = 2 * p
            od_v[j, pl.ds(k * 16, 16)] = 2 * p + 1
        return carry

    lax.fori_loop(0, NCH, build, 0)

    for t in range(CREP // SEQ):
        pltpu.sync_copy(col_hbm, col_v.at[pl.ds(t * SEQ, SEQ)])
    rem = CREP % SEQ
    if rem:
        pltpu.sync_copy(col_hbm.at[pl.ds(0, rem)],
                        col_v.at[pl.ds((CREP // SEQ) * SEQ, rem)])

    NSTEP = NCH + LAG
    NGRP = (NSTEP + NB - 1) // NB

    def group(i, carry):
        for b in range(NB):
            j = i * NB + b

            @pl.when(jnp.logical_and(j >= NB, j < NCH))
            def _():
                wait_scats(j - NB, b)

            @pl.when(j < NCH)
            def _():
                start_gather(j, b)

            s = j - LAG
            sb = (b - LAG) % NB

            @pl.when(jnp.logical_and(s >= 0, s < NCH))
            def _():
                wait_gather(s, sb)
                start_scats(s, sb)

        return carry

    lax.fori_loop(0, NGRP, group, 0)

    for b in range(NB):
        j = NCH - NB + b
        wait_scats(j, j % NB)


_emb_kernel = functools.partial(
    pl.kernel,
    mesh=_mesh,
    compiler_params=pltpu.CompilerParams(use_tc_tiling_on_sc=False),
    out_type=jax.ShapeDtypeStruct((2 * ROWS, EMB), jnp.float32),
    scratch_types=_SCRATCH,
)(_emb_body)


def kernel(indices, X_matrix, column_matrix):
    idx2d = (indices.astype(jnp.int32) * 2).reshape(ROWS // CH, CH)
    x2 = jnp.pad(X_matrix, ((0, 0), (0, EMB))).reshape(2 * VOCAB, EMB)
    out = _emb_kernel(idx2d, x2, column_matrix)
    return out.reshape(SEQ, BATCH, 2 * EMB).transpose(1, 0, 2)

# --- scband reference (transcript-rebuilt; emitter-appended) ---
"""Pipeline reference for scband-custom-embedding-70841190580623 (READ-ONLY COPY).

The authoritative reference and input builder live on the scoring server;
editing this copy changes nothing except your own understanding.
"""

import jax, jax.numpy as jnp
import numpy as np

VOCAB = 100000
EMB_X = 64
SEQ_LEN = 50
EMB_C = 64
BATCH = 4096

def setup_inputs(seed: int = 0) -> dict:
    key = jax.random.key(seed)
    k1, k2, k3 = jax.random.split(key, 3)
    X_matrix = jax.random.normal(k1, (VOCAB, EMB_X), dtype=jnp.float32)
    column_matrix = jax.random.normal(k2, (SEQ_LEN, EMB_C), dtype=jnp.float32)
    indices = jax.random.randint(k3, (BATCH, SEQ_LEN), 0, VOCAB, dtype=jnp.int64 if jax.config.read('jax_enable_x64') else jnp.int32)
    return {"indices": indices, "X_matrix": X_matrix, "column_matrix": column_matrix}

def reference(indices, X_matrix, column_matrix):
    batch_size, seq_len = indices.shape
    feature_dim_C = column_matrix.shape[1]
    # gather rows of X_matrix by indices -> [B, L, EMB_X]
    X_embeddings = jnp.take(X_matrix, indices, axis=0)
    # broadcast column_matrix across the batch -> [B, L, EMB_C]
    column_embeddings = jnp.broadcast_to(column_matrix[None, :, :], (batch_size, seq_len, feature_dim_C))
    result = jnp.concatenate((X_embeddings, column_embeddings), axis=-1)
    return result

if __name__ == "__main__":
    import jax
    _d = setup_inputs()
    print(jax.jit(kernel)(*tuple(_d.values())))

</pallas_src>

<mosaic_0001>
#map = affine_map<(d0, d1) -> (0, 0)>
module attributes {stable_mosaic.version = 14 : i64} {
  func.func @_emb_body(%arg0: i32, %arg1: i32, %arg2: memref<1600x128xi32, #tpu.memory_space<hbm>>, %arg3: memref<200000x64xf32, #tpu.memory_space<hbm>>, %arg4: memref<50x64xf32, #tpu.memory_space<hbm>>, %arg5: memref<409600x64xf32, #tpu.memory_space<hbm>>, %arg6: memref<50x128xi32, #tpu.memory_space<vmem>>, %arg7: memref<50x128xi32, #tpu.memory_space<vmem>>, %arg8: memref<50x128xi32, #tpu.memory_space<vmem>>, %arg9: memref<178x64xf32, #tpu.memory_space<vmem>>, %arg10: memref<128x64xf32, #tpu.memory_space<vmem>>, %arg11: memref<128x64xf32, #tpu.memory_space<vmem>>, %arg12: memref<128x64xf32, #tpu.memory_space<vmem>>, %arg13: memref<128x64xf32, #tpu.memory_space<vmem>>, %arg14: memref<128x64xf32, #tpu.memory_space<vmem>>, %arg15: memref<128x64xf32, #tpu.memory_space<vmem>>, %arg16: memref<!tpu.dma_semaphore, #tpu.memory_space<semaphore_mem>>, %arg17: memref<!tpu.dma_semaphore, #tpu.memory_space<semaphore_mem>>, %arg18: memref<!tpu.dma_semaphore, #tpu.memory_space<semaphore_mem>>, %arg19: memref<!tpu.dma_semaphore, #tpu.memory_space<semaphore_mem>>, %arg20: memref<!tpu.dma_semaphore, #tpu.memory_space<semaphore_mem>>, %arg21: memref<!tpu.dma_semaphore, #tpu.memory_space<semaphore_mem>>, %arg22: memref<!tpu.dma_semaphore, #tpu.memory_space<semaphore_mem>>, %arg23: memref<!tpu.dma_semaphore, #tpu.memory_space<semaphore_mem>>, %arg24: memref<!tpu.dma_semaphore, #tpu.memory_space<semaphore_mem>>, %arg25: memref<!tpu.dma_semaphore, #tpu.memory_space<semaphore_mem>>, %arg26: memref<!tpu.dma_semaphore, #tpu.memory_space<semaphore_mem>>, %arg27: memref<!tpu.dma_semaphore, #tpu.memory_space<semaphore_mem>>, %arg28: memref<!tpu.dma_semaphore, #tpu.memory_space<semaphore_mem>>, %arg29: memref<!tpu.dma_semaphore, #tpu.memory_space<semaphore_mem>>, %arg30: memref<!tpu.dma_semaphore, #tpu.memory_space<semaphore_mem>>, %arg31: memref<!tpu.dma_semaphore, #tpu.memory_space<semaphore_mem>>, %arg32: memref<!tpu.dma_semaphore, #tpu.memory_space<semaphore_mem>>, %arg33: memref<!tpu.dma_semaphore, #tpu.memory_space<semaphore_mem>>) attributes {dimension_semantics = [#tpu.dimension_semantics<core_parallel>, #tpu.dimension_semantics<subcore_parallel>], iteration_bounds = array<i64: 2, 16>, scalar_prefetch = 0 : i64, scratch_operands = 28 : i64, tpu.core_type = #tpu.core_type<sc_vector_subcore>, window_params = [{transform_indices = #map}, {transform_indices = #map}, {transform_indices = #map}, {transform_indices = #map}]} {
    %mul3A = arith.constant 2 : i32
    %mul3A_0 = arith.muli %arg1, %mul3A : i32
    %add3A = arith.addi %mul3A_0, %arg0 : i32
    %mul3A_1 = arith.constant 6400 : i32
    %mul3A_2 = arith.muli %add3A, %mul3A_1 : i32
    %mul3A_3 = arith.constant 50 : i32
    %mul3A_4 = arith.muli %add3A, %mul3A_3 : i32
    "tpu.region"() ({
      %run_scoped3A = tpu.sem_alloc : memref<!tpu.dma_semaphore, #tpu.memory_space<semaphore_mem>>
      %dma_start3A = arith.constant 0 : i32
      %dma_start3A_128 = tpu.memref_slice %arg2[%mul3A_4, %dma_start3A] : memref<1600x128xi32, #tpu.memory_space<hbm>> -> memref<50x128xi32, #tpu.memory_space<hbm>>
      %dma_start3A_129 = arith.constant 0 : i32
      %dma_start3A_130 = tpu.memref_slice %arg2[%mul3A_4, %dma_start3A_129] : memref<1600x128xi32, #tpu.memory_space<hbm>> -> memref<50x128xi32, #tpu.memory_space<hbm>>
      tpu.enqueue_dma source(%dma_start3A_130 : memref<50x128xi32, #tpu.memory_space<hbm>>) target(%arg6 : memref<50x128xi32, #tpu.memory_space<vmem>>) target_semaphore(%run_scoped3A : memref<!tpu.dma_semaphore, #tpu.memory_space<semaphore_mem>>)
      %dma_wait3A_131 = arith.constant 0 : i32
      %dma_wait3A_132 = tpu.memref_slice %arg2[%mul3A_4, %dma_wait3A_131] : memref<1600x128xi32, #tpu.memory_space<hbm>> -> memref<50x128xi32, #tpu.memory_space<hbm>>
      %dma_wait3A_133 = arith.constant 0 : i32
      %dma_wait3A_134 = tpu.memref_slice %arg2[%mul3A_4, %dma_wait3A_133] : memref<1600x128xi32, #tpu.memory_space<hbm>> -> memref<50x128xi32, #tpu.memory_space<hbm>>
      tpu.wait_dma2 semaphore(%run_scoped3A : memref<!tpu.dma_semaphore, #tpu.memory_space<semaphore_mem>>) src(%dma_wait3A_134 : memref<50x128xi32, #tpu.memory_space<hbm>>) dst(%arg6 : memref<50x128xi32, #tpu.memory_space<vmem>>)
      tpu.yield
    }) : () -> ()
    %iota3A = tpu.iota {dimensions = array<i32: 0>} : vector<16xi32>
    %scan3A = arith.constant 0 : i32
    %scan3A_5 = arith.constant 0 : i32
    %scan3A_6 = arith.constant 50 : i32
    %scan3A_7 = arith.addi %scan3A_5, %scan3A_6 : i32
    %scan3A_8 = arith.constant 1 : i32
    scf.for %scan3A_128 = %scan3A_5 to %scan3A_7 step %scan3A_8  : i32 {
      %mul3A_129 = arith.constant 128 : i32
      %mul3A_130 = arith.muli %scan3A_128, %mul3A_129 : i32
      %add3A_131 = arith.addi %mul3A_2, %mul3A_130 : i32
      %add3A_132 = arith.constant 0 : i32
      %add3A_133 = arith.addi %add3A_131, %add3A_132 : i32
      %add3A_134 = vector.broadcast %add3A_133 : i32 to vector<16xi32>
      %add3A_135 = arith.addi %add3A_134, %iota3A : vector<16xi32>
      %rem3A_136 = arith.constant 50 : i32
      %rem3A_137 = vector.broadcast %rem3A_136 : i32 to vector<16xi32>
      %rem3A_138 = arith.remsi %add3A_135, %rem3A_137 : vector<16xi32>
      %mul3A_139 = arith.constant 4096 : i32
      %mul3A_140 = vector.broadcast %mul3A_139 : i32 to vector<16xi32>
      %mul3A_141 = arith.muli %rem3A_138, %mul3A_140 : vector<16xi32>
      %div3A = arith.constant 50 : i32
      %div3A_142 = vector.broadcast %div3A : i32 to vector<16xi32>
      %div3A_143 = arith.divsi %add3A_135, %div3A_142 : vector<16xi32>
      %add3A_144 = arith.addi %mul3A_141, %div3A_143 : vector<16xi32>
      %mul3A_145 = arith.constant 2 : i32
      %mul3A_146 = vector.broadcast %mul3A_145 : i32 to vector<16xi32>
      %mul3A_147 = arith.muli %mul3A_146, %add3A_144 : vector<16xi32>
      %swap3A = arith.index_cast %scan3A_128 : i32 to index
      %swap3A_148 = arith.constant 0 : index
      %swap3A_149 = tpu.vector_load %arg7[%swap3A, %swap3A_148] {strides = array<i32>} : memref<50x128xi32, #tpu.memory_space<vmem>>, vector<1x16xi32>,
      %swap3A_150 = vector.shape_cast %swap3A_149 : vector<1x16xi32> to vector<16xi32>
      %swap3A_151 = vector.shape_cast %mul3A_147 : vector<16xi32> to vector<1x16xi32>
      tpu.vector_store %arg7[%swap3A, %swap3A_148], %swap3A_151 {strides = array<i32>} : memref<50x128xi32, #tpu.memory_space<vmem>>, vector<1x16xi32>,
      %mul3A_152 = arith.constant 2 : i32
      %mul3A_153 = vector.broadcast %mul3A_152 : i32 to vector<16xi32>
      %mul3A_154 = arith.muli %mul3A_153, %add3A_144 : vector<16xi32>
      %add3A_155 = arith.constant 1 : i32
      %add3A_156 = vector.broadcast %add3A_155 : i32 to vector<16xi32>
      %add3A_157 = arith.addi %mul3A_154, %add3A_156 : vector<16xi32>
      %swap3A_158 = arith.index_cast %scan3A_128 : i32 to index
      %swap3A_159 = arith.constant 0 : index
      %swap3A_160 = tpu.vector_load %arg8[%swap3A_158, %swap3A_159] {strides = array<i32>} : memref<50x128xi32, #tpu.memory_space<vmem>>, vector<1x16xi32>,
      %swap3A_161 = vector.shape_cast %swap3A_160 : vector<1x16xi32> to vector<16xi32>
      %swap3A_162 = vector.shape_cast %add3A_157 : vector<16xi32> to vector<1x16xi32>
      tpu.vector_store %arg8[%swap3A_158, %swap3A_159], %swap3A_162 {strides = array<i32>} : memref<50x128xi32, #tpu.memory_space<vmem>>, vector<1x16xi32>,
      %add3A_163 = arith.constant 16 : i32
      %add3A_164 = arith.addi %add3A_131, %add3A_163 : i32
      %add3A_165 = vector.broadcast %add3A_164 : i32 to vector<16xi32>
      %add3A_166 = arith.addi %add3A_165, %iota3A : vector<16xi32>
      %rem3A_167 = arith.constant 50 : i32
      %rem3A_168 = vector.broadcast %rem3A_167 : i32 to vector<16xi32>
      %rem3A_169 = arith.remsi %add3A_166, %rem3A_168 : vector<16xi32>
      %mul3A_170 = arith.constant 4096 : i32
      %mul3A_171 = vector.broadcast %mul3A_170 : i32 to vector<16xi32>
      %mul3A_172 = arith.muli %rem3A_169, %mul3A_171 : vector<16xi32>
      %div3A_173 = arith.constant 50 : i32
      %div3A_174 = vector.broadcast %div3A_173 : i32 to vector<16xi32>
      %div3A_175 = arith.divsi %add3A_166, %div3A_174 : vector<16xi32>
      %add3A_176 = arith.addi %mul3A_172, %div3A_175 : vector<16xi32>
      %mul3A_177 = arith.constant 2 : i32
      %mul3A_178 = vector.broadcast %mul3A_177 : i32 to vector<16xi32>
      %mul3A_179 = arith.muli %mul3A_178, %add3A_176 : vector<16xi32>
      %swap3A_180 = arith.index_cast %scan3A_128 : i32 to index
      %swap3A_181 = arith.constant 16 : index
      %swap3A_182 = tpu.vector_load %arg7[%swap3A_180, %swap3A_181] {strides = array<i32>} : memref<50x128xi32, #tpu.memory_space<vmem>>, vector<1x16xi32>,
      %swap3A_183 = vector.shape_cast %swap3A_182 : vector<1x16xi32> to vector<16xi32>
      %swap3A_184 = vector.shape_cast %mul3A_179 : vector<16xi32> to vector<1x16xi32>
      tpu.vector_store %arg7[%swap3A_180, %swap3A_181], %swap3A_184 {strides = array<i32>} : memref<50x128xi32, #tpu.memory_space<vmem>>, vector<1x16xi32>,
      %mul3A_185 = arith.constant 2 : i32
      %mul3A_186 = vector.broadcast %mul3A_185 : i32 to vector<16xi32>
      %mul3A_187 = arith.muli %mul3A_186, %add3A_176 : vector<16xi32>
      %add3A_188 = arith.constant 1 : i32
      %add3A_189 = vector.broadcast %add3A_188 : i32 to vector<16xi32>
      %add3A_190 = arith.addi %mul3A_187, %add3A_189 : vector<16xi32>
      %swap3A_191 = arith.index_cast %scan3A_128 : i32 to index
      %swap3A_192 = arith.constant 16 : index
      %swap3A_193 = tpu.vector_load %arg8[%swap3A_191, %swap3A_192] {strides = array<i32>} : memref<50x128xi32, #tpu.memory_space<vmem>>, vector<1x16xi32>,
      %swap3A_194 = vector.shape_cast %swap3A_193 : vector<1x16xi32> to vector<16xi32>
      %swap3A_195 = vector.shape_cast %add3A_190 : vector<16xi32> to vector<1x16xi32>
      tpu.vector_store %arg8[%swap3A_191, %swap3A_192], %swap3A_195 {strides = array<i32>} : memref<50x128xi32, #tpu.memory_space<vmem>>, vector<1x16xi32>,
      %add3A_196 = arith.constant 32 : i32
      %add3A_197 = arith.addi %add3A_131, %add3A_196 : i32
      %add3A_198 = vector.broadcast %add3A_197 : i32 to vector<16xi32>
      %add3A_199 = arith.addi %add3A_198, %iota3A : vector<16xi32>
      %rem3A_200 = arith.constant 50 : i32
      %rem3A_201 = vector.broadcast %rem3A_200 : i32 to vector<16xi32>
      %rem3A_202 = arith.remsi %add3A_199, %rem3A_201 : vector<16xi32>
      %mul3A_203 = arith.constant 4096 : i32
      %mul3A_204 = vector.broadcast %mul3A_203 : i32 to vector<16xi32>
      %mul3A_205 = arith.muli %rem3A_202, %mul3A_204 : vector<16xi32>
      %div3A_206 = arith.constant 50 : i32
      %div3A_207 = vector.broadcast %div3A_206 : i32 to vector<16xi32>
      %div3A_208 = arith.divsi %add3A_199, %div3A_207 : vector<16xi32>
      %add3A_209 = arith.addi %mul3A_205, %div3A_208 : vector<16xi32>
      %mul3A_210 = arith.constant 2 : i32
      %mul3A_211 = vector.broadcast %mul3A_210 : i32 to vector<16xi32>
      %mul3A_212 = arith.muli %mul3A_211, %add3A_209 : vector<16xi32>
      %swap3A_213 = arith.index_cast %scan3A_128 : i32 to index
      %swap3A_214 = arith.constant 32 : index
      %swap3A_215 = tpu.vector_load %arg7[%swap3A_213, %swap3A_214] {strides = array<i32>} : memref<50x128xi32, #tpu.memory_space<vmem>>, vector<1x16xi32>,
      %swap3A_216 = vector.shape_cast %swap3A_215 : vector<1x16xi32> to vector<16xi32>
      %swap3A_217 = vector.shape_cast %mul3A_212 : vector<16xi32> to vector<1x16xi32>
      tpu.vector_store %arg7[%swap3A_213, %swap3A_214], %swap3A_217 {strides = array<i32>} : memref<50x128xi32, #tpu.memory_space<vmem>>, vector<1x16xi32>,
      %mul3A_218 = arith.constant 2 : i32
      %mul3A_219 = vector.broadcast %mul3A_218 : i32 to vector<16xi32>
      %mul3A_220 = arith.muli %mul3A_219, %add3A_209 : vector<16xi32>
      %add3A_221 = arith.constant 1 : i32
      %add3A_222 = vector.broadcast %add3A_221 : i32 to vector<16xi32>
      %add3A_223 = arith.addi %mul3A_220, %add3A_222 : vector<16xi32>
      %swap3A_224 = arith.index_cast %scan3A_128 : i32 to index
      %swap3A_225 = arith.constant 32 : index
      %swap3A_226 = tpu.vector_load %arg8[%swap3A_224, %swap3A_225] {strides = array<i32>} : memref<50x128xi32, #tpu.memory_space<vmem>>, vector<1x16xi32>,
      %swap3A_227 = vector.shape_cast %swap3A_226 : vector<1x16xi32> to vector<16xi32>
      %swap3A_228 = vector.shape_cast %add3A_223 : vector<16xi32> to vector<1x16xi32>
      tpu.vector_store %arg8[%swap3A_224, %swap3A_225], %swap3A_228 {strides = array<i32>} : memref<50x128xi32, #tpu.memory_space<vmem>>, vector<1x16xi32>,
      %add3A_229 = arith.constant 48 : i32
      %add3A_230 = arith.addi %add3A_131, %add3A_229 : i32
      %add3A_231 = vector.broadcast %add3A_230 : i32 to vector<16xi32>
      %add3A_232 = arith.addi %add3A_231, %iota3A : vector<16xi32>
      %rem3A_233 = arith.constant 50 : i32
      %rem3A_234 = vector.broadcast %rem3A_233 : i32 to vector<16xi32>
      %rem3A_235 = arith.remsi %add3A_232, %rem3A_234 : vector<16xi32>
      %mul3A_236 = arith.constant 4096 : i32
      %mul3A_237 = vector.broadcast %mul3A_236 : i32 to vector<16xi32>
      %mul3A_238 = arith.muli %rem3A_235, %mul3A_237 : vector<16xi32>
      %div3A_239 = arith.constant 50 : i32
      %div3A_240 = vector.broadcast %div3A_239 : i32 to vector<16xi32>
      %div3A_241 = arith.divsi %add3A_232, %div3A_240 : vector<16xi32>
      %add3A_242 = arith.addi %mul3A_238, %div3A_241 : vector<16xi32>
      %mul3A_243 = arith.constant 2 : i32
      %mul3A_244 = vector.broadcast %mul3A_243 : i32 to vector<16xi32>
      %mul3A_245 = arith.muli %mul3A_244, %add3A_242 : vector<16xi32>
      %swap3A_246 = arith.index_cast %scan3A_128 : i32 to index
      %swap3A_247 = arith.constant 48 : index
      %swap3A_248 = tpu.vector_load %arg7[%swap3A_246, %swap3A_247] {strides = array<i32>} : memref<50x128xi32, #tpu.memory_space<vmem>>, vector<1x16xi32>,
      %swap3A_249 = vector.shape_cast %swap3A_248 : vector<1x16xi32> to vector<16xi32>
      %swap3A_250 = vector.shape_cast %mul3A_245 : vector<16xi32> to vector<1x16xi32>
      tpu.vector_store %arg7[%swap3A_246, %swap3A_247], %swap3A_250 {strides = array<i32>} : memref<50x128xi32, #tpu.memory_space<vmem>>, vector<1x16xi32>,
      %mul3A_251 = arith.constant 2 : i32
      %mul3A_252 = vector.broadcast %mul3A_251 : i32 to vector<16xi32>
      %mul3A_253 = arith.muli %mul3A_252, %add3A_242 : vector<16xi32>
      %add3A_254 = arith.constant 1 : i32
      %add3A_255 = vector.broadcast %add3A_254 : i32 to vector<16xi32>
      %add3A_256 = arith.addi %mul3A_253, %add3A_255 : vector<16xi32>
      %swap3A_257 = arith.index_cast %scan3A_128 : i32 to index
      %swap3A_258 = arith.constant 48 : index
      %swap3A_259 = tpu.vector_load %arg8[%swap3A_257, %swap3A_258] {strides = array<i32>} : memref<50x128xi32, #tpu.memory_space<vmem>>, vector<1x16xi32>,
      %swap3A_260 = vector.shape_cast %swap3A_259 : vector<1x16xi32> to vector<16xi32>
      %swap3A_261 = vector.shape_cast %add3A_256 : vector<16xi32> to vector<1x16xi32>
      tpu.vector_store %arg8[%swap3A_257, %swap3A_258], %swap3A_261 {strides = array<i32>} : memref<50x128xi32, #tpu.memory_space<vmem>>, vector<1x16xi32>,
      %add3A_262 = arith.constant 64 : i32
      %add3A_263 = arith.addi %add3A_131, %add3A_262 : i32
      %add3A_264 = vector.broadcast %add3A_263 : i32 to vector<16xi32>
      %add3A_265 = arith.addi %add3A_264, %iota3A : vector<16xi32>
      %rem3A_266 = arith.constant 50 : i32
      %rem3A_267 = vector.broadcast %rem3A_266 : i32 to vector<16xi32>
      %rem3A_268 = arith.remsi %add3A_265, %rem3A_267 : vector<16xi32>
      %mul3A_269 = arith.constant 4096 : i32
      %mul3A_270 = vector.broadcast %mul3A_269 : i32 to vector<16xi32>
      %mul3A_271 = arith.muli %rem3A_268, %mul3A_270 : vector<16xi32>
      %div3A_272 = arith.constant 50 : i32
      %div3A_273 = vector.broadcast %div3A_272 : i32 to vector<16xi32>
      %div3A_274 = arith.divsi %add3A_265, %div3A_273 : vector<16xi32>
      %add3A_275 = arith.addi %mul3A_271, %div3A_274 : vector<16xi32>
      %mul3A_276 = arith.constant 2 : i32
      %mul3A_277 = vector.broadcast %mul3A_276 : i32 to vector<16xi32>
      %mul3A_278 = arith.muli %mul3A_277, %add3A_275 : vector<16xi32>
      %swap3A_279 = arith.index_cast %scan3A_128 : i32 to index
      %swap3A_280 = arith.constant 64 : index
      %swap3A_281 = tpu.vector_load %arg7[%swap3A_279, %swap3A_280] {strides = array<i32>} : memref<50x128xi32, #tpu.memory_space<vmem>>, vector<1x16xi32>,
      %swap3A_282 = vector.shape_cast %swap3A_281 : vector<1x16xi32> to vector<16xi32>
      %swap3A_283 = vector.shape_cast %mul3A_278 : vector<16xi32> to vector<1x16xi32>
      tpu.vector_store %arg7[%swap3A_279, %swap3A_280], %swap3A_283 {strides = array<i32>} : memref<50x128xi32, #tpu.memory_space<vmem>>, vector<1x16xi32>,
      %mul3A_284 = arith.constant 2 : i32
      %mul3A_285 = vector.broadcast %mul3A_284 : i32 to vector<16xi32>
      %mul3A_286 = arith.muli %mul3A_285, %add3A_275 : vector<16xi32>
      %add3A_287 = arith.constant 1 : i32
      %add3A_288 = vector.broadcast %add3A_287 : i32 to vector<16xi32>
      %add3A_289 = arith.addi %mul3A_286, %add3A_288 : vector<16xi32>
      %swap3A_290 = arith.index_cast %scan3A_128 : i32 to index
      %swap3A_291 = arith.constant 64 : index
      %swap3A_292 = tpu.vector_load %arg8[%swap3A_290, %swap3A_291] {strides = array<i32>} : memref<50x128xi32, #tpu.memory_space<vmem>>, vector<1x16xi32>,
      %swap3A_293 = vector.shape_cast %swap3A_292 : vector<1x16xi32> to vector<16xi32>
      %swap3A_294 = vector.shape_cast %add3A_289 : vector<16xi32> to vector<1x16xi32>
      tpu.vector_store %arg8[%swap3A_290, %swap3A_291], %swap3A_294 {strides = array<i32>} : memref<50x128xi32, #tpu.memory_space<vmem>>, vector<1x16xi32>,
      %add3A_295 = arith.constant 80 : i32
      %add3A_296 = arith.addi %add3A_131, %add3A_295 : i32
      %add3A_297 = vector.broadcast %add3A_296 : i32 to vector<16xi32>
      %add3A_298 = arith.addi %add3A_297, %iota3A : vector<16xi32>
      %rem3A_299 = arith.constant 50 : i32
      %rem3A_300 = vector.broadcast %rem3A_299 : i32 to vector<16xi32>
      %rem3A_301 = arith.remsi %add3A_298, %rem3A_300 : vector<16xi32>
      %mul3A_302 = arith.constant 4096 : i32
      %mul3A_303 = vector.broadcast %mul3A_302 : i32 to vector<16xi32>
      %mul3A_304 = arith.muli %rem3A_301, %mul3A_303 : vector<16xi32>
      %div3A_305 = arith.constant 50 : i32
      %div3A_306 = vector.broadcast %div3A_305 : i32 to vector<16xi32>
      %div3A_307 = arith.divsi %add3A_298, %div3A_306 : vector<16xi32>
      %add3A_308 = arith.addi %mul3A_304, %div3A_307 : vector<16xi32>
      %mul3A_309 = arith.constant 2 : i32
      %mul3A_310 = vector.broadcast %mul3A_309 : i32 to vector<16xi32>
      %mul3A_311 = arith.muli %mul3A_310, %add3A_308 : vector<16xi32>
      %swap3A_312 = arith.index_cast %scan3A_128 : i32 to index
      %swap3A_313 = arith.constant 80 : index
      %swap3A_314 = tpu.vector_load %arg7[%swap3A_312, %swap3A_313] {strides = array<i32>} : memref<50x128xi32, #tpu.memory_space<vmem>>, vector<1x16xi32>,
      %swap3A_315 = vector.shape_cast %swap3A_314 : vector<1x16xi32> to vector<16xi32>
      %swap3A_316 = vector.shape_cast %mul3A_311 : vector<16xi32> to vector<1x16xi32>
      tpu.vector_store %arg7[%swap3A_312, %swap3A_313], %swap3A_316 {strides = array<i32>} : memref<50x128xi32, #tpu.memory_space<vmem>>, vector<1x16xi32>,
      %mul3A_317 = arith.constant 2 : i32
      %mul3A_318 = vector.broadcast %mul3A_317 : i32 to vector<16xi32>
      %mul3A_319 = arith.muli %mul3A_318, %add3A_308 : vector<16xi32>
      %add3A_320 = arith.constant 1 : i32
      %add3A_321 = vector.broadcast %add3A_320 : i32 to vector<16xi32>
      %add3A_322 = arith.addi %mul3A_319, %add3A_321 : vector<16xi32>
      %swap3A_323 = arith.index_cast %scan3A_128 : i32 to index
      %swap3A_324 = arith.constant 80 : index
      %swap3A_325 = tpu.vector_load %arg8[%swap3A_323, %swap3A_324] {strides = array<i32>} : memref<50x128xi32, #tpu.memory_space<vmem>>, vector<1x16xi32>,
      %swap3A_326 = vector.shape_cast %swap3A_325 : vector<1x16xi32> to vector<16xi32>
      %swap3A_327 = vector.shape_cast %add3A_322 : vector<16xi32> to vector<1x16xi32>
      tpu.vector_store %arg8[%swap3A_323, %swap3A_324], %swap3A_327 {strides = array<i32>} : memref<50x128xi32, #tpu.memory_space<vmem>>, vector<1x16xi32>,
      %add3A_328 = arith.constant 96 : i32
      %add3A_329 = arith.addi %add3A_131, %add3A_328 : i32
      %add3A_330 = vector.broadcast %add3A_329 : i32 to vector<16xi32>
      %add3A_331 = arith.addi %add3A_330, %iota3A : vector<16xi32>
      %rem3A_332 = arith.constant 50 : i32
      %rem3A_333 = vector.broadcast %rem3A_332 : i32 to vector<16xi32>
      %rem3A_334 = arith.remsi %add3A_331, %rem3A_333 : vector<16xi32>
      %mul3A_335 = arith.constant 4096 : i32
      %mul3A_336 = vector.broadcast %mul3A_335 : i32 to vector<16xi32>
      %mul3A_337 = arith.muli %rem3A_334, %mul3A_336 : vector<16xi32>
      %div3A_338 = arith.constant 50 : i32
      %div3A_339 = vector.broadcast %div3A_338 : i32 to vector<16xi32>
      %div3A_340 = arith.divsi %add3A_331, %div3A_339 : vector<16xi32>
      %add3A_341 = arith.addi %mul3A_337, %div3A_340 : vector<16xi32>
      %mul3A_342 = arith.constant 2 : i32
      %mul3A_343 = vector.broadcast %mul3A_342 : i32 to vector<16xi32>
      %mul3A_344 = arith.muli %mul3A_343, %add3A_341 : vector<16xi32>
      %swap3A_345 = arith.index_cast %scan3A_128 : i32 to index
      %swap3A_346 = arith.constant 96 : index
      %swap3A_347 = tpu.vector_load %arg7[%swap3A_345, %swap3A_346] {strides = array<i32>} : memref<50x128xi32, #tpu.memory_space<vmem>>, vector<1x16xi32>,
      %swap3A_348 = vector.shape_cast %swap3A_347 : vector<1x16xi32> to vector<16xi32>
      %swap3A_349 = vector.shape_cast %mul3A_344 : vector<16xi32> to vector<1x16xi32>
      tpu.vector_store %arg7[%swap3A_345, %swap3A_346], %swap3A_349 {strides = array<i32>} : memref<50x128xi32, #tpu.memory_space<vmem>>, vector<1x16xi32>,
      %mul3A_350 = arith.constant 2 : i32
      %mul3A_351 = vector.broadcast %mul3A_350 : i32 to vector<16xi32>
      %mul3A_352 = arith.muli %mul3A_351, %add3A_341 : vector<16xi32>
      %add3A_353 = arith.constant 1 : i32
      %add3A_354 = vector.broadcast %add3A_353 : i32 to vector<16xi32>
      %add3A_355 = arith.addi %mul3A_352, %add3A_354 : vector<16xi32>
      %swap3A_356 = arith.index_cast %scan3A_128 : i32 to index
      %swap3A_357 = arith.constant 96 : index
      %swap3A_358 = tpu.vector_load %arg8[%swap3A_356, %swap3A_357] {strides = array<i32>} : memref<50x128xi32, #tpu.memory_space<vmem>>, vector<1x16xi32>,
      %swap3A_359 = vector.shape_cast %swap3A_358 : vector<1x16xi32> to vector<16xi32>
      %swap3A_360 = vector.shape_cast %add3A_355 : vector<16xi32> to vector<1x16xi32>
      tpu.vector_store %arg8[%swap3A_356, %swap3A_357], %swap3A_360 {strides = array<i32>} : memref<50x128xi32, #tpu.memory_space<vmem>>, vector<1x16xi32>,
      %add3A_361 = arith.constant 112 : i32
      %add3A_362 = arith.addi %add3A_131, %add3A_361 : i32
      %add3A_363 = vector.broadcast %add3A_362 : i32 to vector<16xi32>
      %add3A_364 = arith.addi %add3A_363, %iota3A : vector<16xi32>
      %rem3A_365 = arith.constant 50 : i32
      %rem3A_366 = vector.broadcast %rem3A_365 : i32 to vector<16xi32>
      %rem3A_367 = arith.remsi %add3A_364, %rem3A_366 : vector<16xi32>
      %mul3A_368 = arith.constant 4096 : i32
      %mul3A_369 = vector.broadcast %mul3A_368 : i32 to vector<16xi32>
      %mul3A_370 = arith.muli %rem3A_367, %mul3A_369 : vector<16xi32>
      %div3A_371 = arith.constant 50 : i32
      %div3A_372 = vector.broadcast %div3A_371 : i32 to vector<16xi32>
      %div3A_373 = arith.divsi %add3A_364, %div3A_372 : vector<16xi32>
      %add3A_374 = arith.addi %mul3A_370, %div3A_373 : vector<16xi32>
      %mul3A_375 = arith.constant 2 : i32
      %mul3A_376 = vector.broadcast %mul3A_375 : i32 to vector<16xi32>
      %mul3A_377 = arith.muli %mul3A_376, %add3A_374 : vector<16xi32>
      %swap3A_378 = arith.index_cast %scan3A_128 : i32 to index
      %swap3A_379 = arith.constant 112 : index
      %swap3A_380 = tpu.vector_load %arg7[%swap3A_378, %swap3A_379] {strides = array<i32>} : memref<50x128xi32, #tpu.memory_space<vmem>>, vector<1x16xi32>,
      %swap3A_381 = vector.shape_cast %swap3A_380 : vector<1x16xi32> to vector<16xi32>
      %swap3A_382 = vector.shape_cast %mul3A_377 : vector<16xi32> to vector<1x16xi32>
      tpu.vector_store %arg7[%swap3A_378, %swap3A_379], %swap3A_382 {strides = array<i32>} : memref<50x128xi32, #tpu.memory_space<vmem>>, vector<1x16xi32>,
      %mul3A_383 = arith.constant 2 : i32
      %mul3A_384 = vector.broadcast %mul3A_383 : i32 to vector<16xi32>
      %mul3A_385 = arith.muli %mul3A_384, %add3A_374 : vector<16xi32>
      %add3A_386 = arith.constant 1 : i32
      %add3A_387 = vector.broadcast %add3A_386 : i32 to vector<16xi32>
      %add3A_388 = arith.addi %mul3A_385, %add3A_387 : vector<16xi32>
      %swap3A_389 = arith.index_cast %scan3A_128 : i32 to index
      %swap3A_390 = arith.constant 112 : index
      %swap3A_391 = tpu.vector_load %arg8[%swap3A_389, %swap3A_390] {strides = array<i32>} : memref<50x128xi32, #tpu.memory_space<vmem>>, vector<1x16xi32>,
      %swap3A_392 = vector.shape_cast %swap3A_391 : vector<1x16xi32> to vector<16xi32>
      %swap3A_393 = vector.shape_cast %add3A_388 : vector<16xi32> to vector<1x16xi32>
      tpu.vector_store %arg8[%swap3A_389, %swap3A_390], %swap3A_393 {strides = array<i32>} : memref<50x128xi32, #tpu.memory_space<vmem>>, vector<1x16xi32>,
    }
    %scan3A_9 = arith.constant 50 : i32
    "tpu.region"() ({
      %run_scoped3A = tpu.sem_alloc : memref<!tpu.dma_semaphore, #tpu.memory_space<semaphore_mem>>
      %dma_start3A = arith.constant 0 : i32
      %dma_start3A_128 = arith.constant 0 : i32
      %dma_start3A_129 = tpu.memref_slice %arg9[%dma_start3A, %dma_start3A_128] : memref<178x64xf32, #tpu.memory_space<vmem>> -> memref<50x64xf32, #tpu.memory_space<vmem>>
      %dma_start3A_130 = arith.constant 0 : i32
      %dma_start3A_131 = arith.constant 0 : i32
      %dma_start3A_132 = tpu.memref_slice %arg9[%dma_start3A_130, %dma_start3A_131] : memref<178x64xf32, #tpu.memory_space<vmem>> -> memref<50x64xf32, #tpu.memory_space<vmem>>
      tpu.enqueue_dma source(%arg4 : memref<50x64xf32, #tpu.memory_space<hbm>>) target(%dma_start3A_132 : memref<50x64xf32, #tpu.memory_space<vmem>>) target_semaphore(%run_scoped3A : memref<!tpu.dma_semaphore, #tpu.memory_space<semaphore_mem>>)
      %dma_wait3A_133 = arith.constant 0 : i32
      %dma_wait3A_134 = arith.constant 0 : i32
      %dma_wait3A_135 = tpu.memref_slice %arg9[%dma_wait3A_133, %dma_wait3A_134] : memref<178x64xf32, #tpu.memory_space<vmem>> -> memref<50x64xf32, #tpu.memory_space<vmem>>
      %dma_wait3A_136 = arith.constant 0 : i32
      %dma_wait3A_137 = arith.constant 0 : i32
      %dma_wait3A_138 = tpu.memref_slice %arg9[%dma_wait3A_136, %dma_wait3A_137] : memref<178x64xf32, #tpu.memory_space<vmem>> -> memref<50x64xf32, #tpu.memory_space<vmem>>
      tpu.wait_dma2 semaphore(%run_scoped3A : memref<!tpu.dma_semaphore, #tpu.memory_space<semaphore_mem>>) src(%arg4 : memref<50x64xf32, #tpu.memory_space<hbm>>) dst(%dma_wait3A_138 : memref<50x64xf32, #tpu.memory_space<vmem>>)
      tpu.yield
    }) : () -> ()
    "tpu.region"() ({
      %run_scoped3A = tpu.sem_alloc : memref<!tpu.dma_semaphore, #tpu.memory_space<semaphore_mem>>
      %dma_start3A = arith.constant 50 : i32
      %dma_start3A_128 = arith.constant 0 : i32
      %dma_start3A_129 = tpu.memref_slice %arg9[%dma_start3A, %dma_start3A_128] : memref<178x64xf32, #tpu.memory_space<vmem>> -> memref<50x64xf32, #tpu.memory_space<vmem>>
      %dma_start3A_130 = arith.constant 50 : i32
      %dma_start3A_131 = arith.constant 0 : i32
      %dma_start3A_132 = tpu.memref_slice %arg9[%dma_start3A_130, %dma_start3A_131] : memref<178x64xf32, #tpu.memory_space<vmem>> -> memref<50x64xf32, #tpu.memory_space<vmem>>
      tpu.enqueue_dma source(%arg4 : memref<50x64xf32, #tpu.memory_space<hbm>>) target(%dma_start3A_132 : memref<50x64xf32, #tpu.memory_space<vmem>>) target_semaphore(%run_scoped3A : memref<!tpu.dma_semaphore, #tpu.memory_space<semaphore_mem>>)
      %dma_wait3A_133 = arith.constant 50 : i32
      %dma_wait3A_134 = arith.constant 0 : i32
      %dma_wait3A_135 = tpu.memref_slice %arg9[%dma_wait3A_133, %dma_wait3A_134] : memref<178x64xf32, #tpu.memory_space<vmem>> -> memref<50x64xf32, #tpu.memory_space<vmem>>
      %dma_wait3A_136 = arith.constant 50 : i32
      %dma_wait3A_137 = arith.constant 0 : i32
      %dma_wait3A_138 = tpu.memref_slice %arg9[%dma_wait3A_136, %dma_wait3A_137] : memref<178x64xf32, #tpu.memory_space<vmem>> -> memref<50x64xf32, #tpu.memory_space<vmem>>
      tpu.wait_dma2 semaphore(%run_scoped3A : memref<!tpu.dma_semaphore, #tpu.memory_space<semaphore_mem>>) src(%arg4 : memref<50x64xf32, #tpu.memory_space<hbm>>) dst(%dma_wait3A_138 : memref<50x64xf32, #tpu.memory_space<vmem>>)
      tpu.yield
    }) : () -> ()
    "tpu.region"() ({
      %run_scoped3A = tpu.sem_alloc : memref<!tpu.dma_semaphore, #tpu.memory_space<semaphore_mem>>
      %dma_start3A = arith.constant 100 : i32
      %dma_start3A_128 = arith.constant 0 : i32
      %dma_start3A_129 = tpu.memref_slice %arg9[%dma_start3A, %dma_start3A_128] : memref<178x64xf32, #tpu.memory_space<vmem>> -> memref<50x64xf32, #tpu.memory_space<vmem>>
      %dma_start3A_130 = arith.constant 100 : i32
      %dma_start3A_131 = arith.constant 0 : i32
      %dma_start3A_132 = tpu.memref_slice %arg9[%dma_start3A_130, %dma_start3A_131] : memref<178x64xf32, #tpu.memory_space<vmem>> -> memref<50x64xf32, #tpu.memory_space<vmem>>
      tpu.enqueue_dma source(%arg4 : memref<50x64xf32, #tpu.memory_space<hbm>>) target(%dma_start3A_132 : memref<50x64xf32, #tpu.memory_space<vmem>>) target_semaphore(%run_scoped3A : memref<!tpu.dma_semaphore, #tpu.memory_space<semaphore_mem>>)
      %dma_wait3A_133 = arith.constant 100 : i32
      %dma_wait3A_134 = arith.constant 0 : i32
      %dma_wait3A_135 = tpu.memref_slice %arg9[%dma_wait3A_133, %dma_wait3A_134] : memref<178x64xf32, #tpu.memory_space<vmem>> -> memref<50x64xf32, #tpu.memory_space<vmem>>
      %dma_wait3A_136 = arith.constant 100 : i32
      %dma_wait3A_137 = arith.constant 0 : i32
      %dma_wait3A_138 = tpu.memref_slice %arg9[%dma_wait3A_136, %dma_wait3A_137] : memref<178x64xf32, #tpu.memory_space<vmem>> -> memref<50x64xf32, #tpu.memory_space<vmem>>
      tpu.wait_dma2 semaphore(%run_scoped3A : memref<!tpu.dma_semaphore, #tpu.memory_space<semaphore_mem>>) src(%arg4 : memref<50x64xf32, #tpu.memory_space<hbm>>) dst(%dma_wait3A_138 : memref<50x64xf32, #tpu.memory_space<vmem>>)
      tpu.yield
    }) : () -> ()
    "tpu.region"() ({
      %run_scoped3A = tpu.sem_alloc : memref<!tpu.dma_semaphore, #tpu.memory_space<semaphore_mem>>
      %dma_start3A = arith.constant 150 : i32
      %dma_start3A_128 = arith.constant 0 : i32
      %dma_start3A_129 = tpu.memref_slice %arg9[%dma_start3A, %dma_start3A_128] : memref<178x64xf32, #tpu.memory_space<vmem>> -> memref<28x64xf32, #tpu.memory_space<vmem>>
      %dma_start3A_130 = arith.constant 0 : i32
      %dma_start3A_131 = arith.constant 0 : i32
      %dma_start3A_132 = tpu.memref_slice %arg4[%dma_start3A_130, %dma_start3A_131] : memref<50x64xf32, #tpu.memory_space<hbm>> -> memref<28x64xf32, #tpu.memory_space<hbm>>
      %dma_start3A_133 = arith.constant 150 : i32
      %dma_start3A_134 = arith.constant 0 : i32
      %dma_start3A_135 = tpu.memref_slice %arg9[%dma_start3A_133, %dma_start3A_134] : memref<178x64xf32, #tpu.memory_space<vmem>> -> memref<28x64xf32, #tpu.memory_space<vmem>>
      %dma_start3A_136 = arith.constant 0 : i32
      %dma_start3A_137 = arith.constant 0 : i32
      %dma_start3A_138 = tpu.memref_slice %arg4[%dma_start3A_136, %dma_start3A_137] : memref<50x64xf32, #tpu.memory_space<hbm>> -> memref<28x64xf32, #tpu.memory_space<hbm>>
      tpu.enqueue_dma source(%dma_start3A_138 : memref<28x64xf32, #tpu.memory_space<hbm>>) target(%dma_start3A_135 : memref<28x64xf32, #tpu.memory_space<vmem>>) target_semaphore(%run_scoped3A : memref<!tpu.dma_semaphore, #tpu.memory_space<semaphore_mem>>)
      %dma_wait3A_139 = arith.constant 150 : i32
      %dma_wait3A_140 = arith.constant 0 : i32
      %dma_wait3A_141 = tpu.memref_slice %arg9[%dma_wait3A_139, %dma_wait3A_140] : memref<178x64xf32, #tpu.memory_space<vmem>> -> memref<28x64xf32, #tpu.memory_space<vmem>>
      %dma_wait3A_142 = arith.constant 0 : i32
      %dma_wait3A_143 = arith.constant 0 : i32
      %dma_wait3A_144 = tpu.memref_slice %arg4[%dma_wait3A_142, %dma_wait3A_143] : memref<50x64xf32, #tpu.memory_space<hbm>> -> memref<28x64xf32, #tpu.memory_space<hbm>>
      %dma_wait3A_145 = arith.constant 150 : i32
      %dma_wait3A_146 = arith.constant 0 : i32
      %dma_wait3A_147 = tpu.memref_slice %arg9[%dma_wait3A_145, %dma_wait3A_146] : memref<178x64xf32, #tpu.memory_space<vmem>> -> memref<28x64xf32, #tpu.memory_space<vmem>>
      %dma_wait3A_148 = arith.constant 0 : i32
      %dma_wait3A_149 = arith.constant 0 : i32
      %dma_wait3A_150 = tpu.memref_slice %arg4[%dma_wait3A_148, %dma_wait3A_149] : memref<50x64xf32, #tpu.memory_space<hbm>> -> memref<28x64xf32, #tpu.memory_space<hbm>>
      tpu.wait_dma2 semaphore(%run_scoped3A : memref<!tpu.dma_semaphore, #tpu.memory_space<semaphore_mem>>) src(%dma_wait3A_150 : memref<28x64xf32, #tpu.memory_space<hbm>>) dst(%dma_wait3A_147 : memref<28x64xf32, #tpu.memory_space<vmem>>)
      tpu.yield
    }) : () -> ()
    %scan3A_10 = arith.constant 0 : i32
    %scan3A_11 = arith.constant 0 : i32
    %scan3A_12 = arith.constant 9 : i32
    %scan3A_13 = arith.addi %scan3A_11, %scan3A_12 : i32
    %scan3A_14 = arith.constant 1 : i32
    scf.for %scan3A_128 = %scan3A_11 to %scan3A_13 step %scan3A_14  : i32 {
      %mul3A_129 = arith.constant 6 : i32
      %mul3A_130 = arith.muli %scan3A_128, %mul3A_129 : i32
      %add3A_131 = arith.constant 0 : i32
      %add3A_132 = arith.addi %mul3A_130, %add3A_131 : i32
      %ge3A = arith.constant 6 : i32
      %ge3A_133 = arith.cmpi sge, %add3A_132, %ge3A : i32
      %lt3A = arith.constant 50 : i32
      %lt3A_134 = arith.cmpi slt, %add3A_132, %lt3A : i32
      %and3A = arith.andi %ge3A_133, %lt3A_134 : i1
      %convert_element_type3A = arith.extui %and3A : i1 to i32
      %cond3A = arith.constant 0 : i32
      %cond3A_135 = arith.cmpi ne, %convert_element_type3A, %cond3A : i32
      scf.if %cond3A_135 {
        %sub3A_285 = arith.constant 6 : i32
        %sub3A_286 = arith.subi %add3A_132, %sub3A_285 : i32
        %dma_wait3A_287 = arith.constant 0 : i32
        %dma_wait3A_288 = tpu.memref_slice %arg7[%sub3A_286, %dma_wait3A_287] : memref<50x128xi32, #tpu.memory_space<vmem>> -> memref<1x128xi32, #tpu.memory_space<vmem>>
        %dma_wait3A_289 = tpu.memref_squeeze %dma_wait3A_288 : memref<1x128xi32, #tpu.memory_space<vmem>> -> memref<128xi32, #tpu.memory_space<vmem>>
        %dma_wait3A_290 = arith.constant 0 : i32
        %dma_wait3A_291 = arith.constant 0 : i32
        %dma_wait3A_292 = tpu.memref_slice %arg5[%dma_wait3A_290, %dma_wait3A_291] : memref<409600x64xf32, #tpu.memory_space<hbm>> -> memref<409600x64xf32, #tpu.memory_space<hbm>>
        tpu.wait_indirect_dma semaphore(%arg22 : memref<!tpu.dma_semaphore, #tpu.memory_space<semaphore_mem>>) src(%arg10 : memref<128x64xf32, #tpu.memory_space<vmem>>) dst(%dma_wait3A_292 : memref<409600x64xf32, #tpu.memory_space<hbm>>)
        %mul3A_293 = arith.constant 128 : i32
        %mul3A_294 = arith.muli %sub3A_286, %mul3A_293 : i32
        %rem3A_295 = arith.constant 50 : i32
        %rem3A_296 = arith.remsi %mul3A_294, %rem3A_295 : i32
        %dma_wait3A_297 = arith.constant 0 : i32
        %dma_wait3A_298 = tpu.memref_slice %arg9[%rem3A_296, %dma_wait3A_297] : memref<178x64xf32, #tpu.memory_space<vmem>> -> memref<128x64xf32, #tpu.memory_space<vmem>>
        %dma_wait3A_299 = arith.constant 0 : i32
        %dma_wait3A_300 = tpu.memref_slice %arg8[%sub3A_286, %dma_wait3A_299] : memref<50x128xi32, #tpu.memory_space<vmem>> -> memref<1x128xi32, #tpu.memory_space<vmem>>
        %dma_wait3A_301 = tpu.memref_squeeze %dma_wait3A_300 : memref<1x128xi32, #tpu.memory_space<vmem>> -> memref<128xi32, #tpu.memory_space<vmem>>
        %dma_wait3A_302 = arith.constant 0 : i32
        %dma_wait3A_303 = arith.constant 0 : i32
        %dma_wait3A_304 = tpu.memref_slice %arg5[%dma_wait3A_302, %dma_wait3A_303] : memref<409600x64xf32, #tpu.memory_space<hbm>> -> memref<409600x64xf32, #tpu.memory_space<hbm>>
        tpu.wait_indirect_dma semaphore(%arg28 : memref<!tpu.dma_semaphore, #tpu.memory_space<semaphore_mem>>) src(%dma_wait3A_298 : memref<128x64xf32, #tpu.memory_space<vmem>>) dst(%dma_wait3A_304 : memref<409600x64xf32, #tpu.memory_space<hbm>>)
      } else {
      }
      %lt3A_136 = arith.constant 50 : i32
      %lt3A_137 = arith.cmpi slt, %add3A_132, %lt3A_136 : i32
      %convert_element_type3A_138 = arith.extui %lt3A_137 : i1 to i32
      %cond3A_139 = arith.constant 0 : i32
      %cond3A_140 = arith.cmpi ne, %convert_element_type3A_138, %cond3A_139 : i32
      scf.if %cond3A_140 {
        %dma_start3A = arith.constant 0 : i32
        %dma_start3A_285 = tpu.memref_slice %arg6[%add3A_132, %dma_start3A] : memref<50x128xi32, #tpu.memory_space<vmem>> -> memref<1x128xi32, #tpu.memory_space<vmem>>
        %dma_start3A_286 = tpu.memref_squeeze %dma_start3A_285 : memref<1x128xi32, #tpu.memory_space<vmem>> -> memref<128xi32, #tpu.memory_space<vmem>>
        %dma_start3A_287 = arith.constant 0 : i32
        %dma_start3A_288 = arith.constant 0 : i32
        %dma_start3A_289 = tpu.memref_slice %arg3[%dma_start3A_287, %dma_start3A_288] : memref<200000x64xf32, #tpu.memory_space<hbm>> -> memref<200000x64xf32, #tpu.memory_space<hbm>>
        tpu.enqueue_indirect_dma source(%dma_start3A_289 : memref<200000x64xf32, #tpu.memory_space<hbm>>) target(%arg10 : memref<128x64xf32, #tpu.memory_space<vmem>>) offsets(%dma_start3A_286 : memref<128xi32, #tpu.memory_space<vmem>>) semaphore(%arg16 : memref<!tpu.dma_semaphore, #tpu.memory_space<semaphore_mem>>)
      } else {
      }
      %sub3A = arith.constant 3 : i32
      %sub3A_141 = arith.subi %add3A_132, %sub3A : i32
      %ge3A_142 = arith.constant 0 : i32
      %ge3A_143 = arith.cmpi sge, %sub3A_141, %ge3A_142 : i32
      %lt3A_144 = arith.constant 50 : i32
      %lt3A_145 = arith.cmpi slt, %sub3A_141, %lt3A_144 : i32
      %and3A_146 = arith.andi %ge3A_143, %lt3A_145 : i1
      %convert_element_type3A_147 = arith.extui %and3A_146 : i1 to i32
      %cond3A_148 = arith.constant 0 : i32
      %cond3A_149 = arith.cmpi ne, %convert_element_type3A_147, %cond3A_148 : i32
      scf.if %cond3A_149 {
        %dma_wait3A_285 = arith.constant 0 : i32
        %dma_wait3A_286 = tpu.memref_slice %arg6[%sub3A_141, %dma_wait3A_285] : memref<50x128xi32, #tpu.memory_space<vmem>> -> memref<1x128xi32, #tpu.memory_space<vmem>>
        %dma_wait3A_287 = tpu.memref_squeeze %dma_wait3A_286 : memref<1x128xi32, #tpu.memory_space<vmem>> -> memref<128xi32, #tpu.memory_space<vmem>>
        %dma_wait3A_288 = arith.constant 0 : i32
        %dma_wait3A_289 = arith.constant 0 : i32
        %dma_wait3A_290 = tpu.memref_slice %arg3[%dma_wait3A_288, %dma_wait3A_289] : memref<200000x64xf32, #tpu.memory_space<hbm>> -> memref<200000x64xf32, #tpu.memory_space<hbm>>
        tpu.wait_indirect_dma semaphore(%arg19 : memref<!tpu.dma_semaphore, #tpu.memory_space<semaphore_mem>>) src(%dma_wait3A_290 : memref<200000x64xf32, #tpu.memory_space<hbm>>) dst(%arg13 : memref<128x64xf32, #tpu.memory_space<vmem>>)
        %dma_start3A = arith.constant 0 : i32
        %dma_start3A_291 = tpu.memref_slice %arg7[%sub3A_141, %dma_start3A] : memref<50x128xi32, #tpu.memory_space<vmem>> -> memref<1x128xi32, #tpu.memory_space<vmem>>
        %dma_start3A_292 = tpu.memref_squeeze %dma_start3A_291 : memref<1x128xi32, #tpu.memory_space<vmem>> -> memref<128xi32, #tpu.memory_space<vmem>>
        %dma_start3A_293 = arith.constant 0 : i32
        %dma_start3A_294 = arith.constant 0 : i32
        %dma_start3A_295 = tpu.memref_slice %arg5[%dma_start3A_293, %dma_start3A_294] : memref<409600x64xf32, #tpu.memory_space<hbm>> -> memref<409600x64xf32, #tpu.memory_space<hbm>>
        tpu.enqueue_indirect_dma source(%arg13 : memref<128x64xf32, #tpu.memory_space<vmem>>) target(%dma_start3A_295 : memref<409600x64xf32, #tpu.memory_space<hbm>>) offsets(%dma_start3A_292 : memref<128xi32, #tpu.memory_space<vmem>>) semaphore(%arg25 : memref<!tpu.dma_semaphore, #tpu.memory_space<semaphore_mem>>)
        %mul3A_296 = arith.constant 128 : i32
        %mul3A_297 = arith.muli %sub3A_141, %mul3A_296 : i32
        %rem3A_298 = arith.constant 50 : i32
        %rem3A_299 = arith.remsi %mul3A_297, %rem3A_298 : i32
        %dma_start3A_300 = arith.constant 0 : i32
        %dma_start3A_301 = tpu.memref_slice %arg9[%rem3A_299, %dma_start3A_300] : memref<178x64xf32, #tpu.memory_space<vmem>> -> memref<128x64xf32, #tpu.memory_space<vmem>>
        %dma_start3A_302 = arith.constant 0 : i32
        %dma_start3A_303 = tpu.memref_slice %arg8[%sub3A_141, %dma_start3A_302] : memref<50x128xi32, #tpu.memory_space<vmem>> -> memref<1x128xi32, #tpu.memory_space<vmem>>
        %dma_start3A_304 = tpu.memref_squeeze %dma_start3A_303 : memref<1x128xi32, #tpu.memory_space<vmem>> -> memref<128xi32, #tpu.memory_space<vmem>>
        %dma_start3A_305 = arith.constant 0 : i32
        %dma_start3A_306 = arith.constant 0 : i32
        %dma_start3A_307 = tpu.memref_slice %arg5[%dma_start3A_305, %dma_start3A_306] : memref<409600x64xf32, #tpu.memory_space<hbm>> -> memref<409600x64xf32, #tpu.memory_space<hbm>>
        tpu.enqueue_indirect_dma source(%dma_start3A_301 : memref<128x64xf32, #tpu.memory_space<vmem>>) target(%dma_start3A_307 : memref<409600x64xf32, #tpu.memory_space<hbm>>) offsets(%dma_start3A_304 : memref<128xi32, #tpu.memory_space<vmem>>) semaphore(%arg31 : memref<!tpu.dma_semaphore, #tpu.memory_space<semaphore_mem>>)
      } else {
      }
      %mul3A_150 = arith.constant 6 : i32
      %mul3A_151 = arith.muli %scan3A_128, %mul3A_150 : i32
      %add3A_152 = arith.constant 1 : i32
      %add3A_153 = arith.addi %mul3A_151, %add3A_152 : i32
      %ge3A_154 = arith.constant 6 : i32
      %ge3A_155 = arith.cmpi sge, %add3A_153, %ge3A_154 : i32
      %lt3A_156 = arith.constant 50 : i32
      %lt3A_157 = arith.cmpi slt, %add3A_153, %lt3A_156 : i32
      %and3A_158 = arith.andi %ge3A_155, %lt3A_157 : i1
      %convert_element_type3A_159 = arith.extui %and3A_158 : i1 to i32
      %cond3A_160 = arith.constant 0 : i32
      %cond3A_161 = arith.cmpi ne, %convert_element_type3A_159, %cond3A_160 : i32
      scf.if %cond3A_161 {
        %sub3A_285 = arith.constant 6 : i32
        %sub3A_286 = arith.subi %add3A_153, %sub3A_285 : i32
        %dma_wait3A_287 = arith.constant 0 : i32
        %dma_wait3A_288 = tpu.memref_slice %arg7[%sub3A_286, %dma_wait3A_287] : memref<50x128xi32, #tpu.memory_space<vmem>> -> memref<1x128xi32, #tpu.memory_space<vmem>>
        %dma_wait3A_289 = tpu.memref_squeeze %dma_wait3A_288 : memref<1x128xi32, #tpu.memory_space<vmem>> -> memref<128xi32, #tpu.memory_space<vmem>>
        %dma_wait3A_290 = arith.constant 0 : i32
        %dma_wait3A_291 = arith.constant 0 : i32
        %dma_wait3A_292 = tpu.memref_slice %arg5[%dma_wait3A_290, %dma_wait3A_291] : memref<409600x64xf32, #tpu.memory_space<hbm>> -> memref<409600x64xf32, #tpu.memory_space<hbm>>
        tpu.wait_indirect_dma semaphore(%arg23 : memref<!tpu.dma_semaphore, #tpu.memory_space<semaphore_mem>>) src(%arg11 : memref<128x64xf32, #tpu.memory_space<vmem>>) dst(%dma_wait3A_292 : memref<409600x64xf32, #tpu.memory_space<hbm>>)
        %mul3A_293 = arith.constant 128 : i32
        %mul3A_294 = arith.muli %sub3A_286, %mul3A_293 : i32
        %rem3A_295 = arith.constant 50 : i32
        %rem3A_296 = arith.remsi %mul3A_294, %rem3A_295 : i32
        %dma_wait3A_297 = arith.constant 0 : i32
        %dma_wait3A_298 = tpu.memref_slice %arg9[%rem3A_296, %dma_wait3A_297] : memref<178x64xf32, #tpu.memory_space<vmem>> -> memref<128x64xf32, #tpu.memory_space<vmem>>
        %dma_wait3A_299 = arith.constant 0 : i32
        %dma_wait3A_300 = tpu.memref_slice %arg8[%sub3A_286, %dma_wait3A_299] : memref<50x128xi32, #tpu.memory_space<vmem>> -> memref<1x128xi32, #tpu.memory_space<vmem>>
        %dma_wait3A_301 = tpu.memref_squeeze %dma_wait3A_300 : memref<1x128xi32, #tpu.memory_space<vmem>> -> memref<128xi32, #tpu.memory_space<vmem>>
        %dma_wait3A_302 = arith.constant 0 : i32
        %dma_wait3A_303 = arith.constant 0 : i32
        %dma_wait3A_304 = tpu.memref_slice %arg5[%dma_wait3A_302, %dma_wait3A_303] : memref<409600x64xf32, #tpu.memory_space<hbm>> -> memref<409600x64xf32, #tpu.memory_space<hbm>>
        tpu.wait_indirect_dma semaphore(%arg29 : memref<!tpu.dma_semaphore, #tpu.memory_space<semaphore_mem>>) src(%dma_wait3A_298 : memref<128x64xf32, #tpu.memory_space<vmem>>) dst(%dma_wait3A_304 : memref<409600x64xf32, #tpu.memory_space<hbm>>)
      } else {
      }
      %lt3A_162 = arith.constant 50 : i32
      %lt3A_163 = arith.cmpi slt, %add3A_153, %lt3A_162 : i32
      %convert_element_type3A_164 = arith.extui %lt3A_163 : i1 to i32
      %cond3A_165 = arith.constant 0 : i32
      %cond3A_166 = arith.cmpi ne, %convert_element_type3A_164, %cond3A_165 : i32
      scf.if %cond3A_166 {
        %dma_start3A = arith.constant 0 : i32
        %dma_start3A_285 = tpu.memref_slice %arg6[%add3A_153, %dma_start3A] : memref<50x128xi32, #tpu.memory_space<vmem>> -> memref<1x128xi32, #tpu.memory_space<vmem>>
        %dma_start3A_286 = tpu.memref_squeeze %dma_start3A_285 : memref<1x128xi32, #tpu.memory_space<vmem>> -> memref<128xi32, #tpu.memory_space<vmem>>
        %dma_start3A_287 = arith.constant 0 : i32
        %dma_start3A_288 = arith.constant 0 : i32
        %dma_start3A_289 = tpu.memref_slice %arg3[%dma_start3A_287, %dma_start3A_288] : memref<200000x64xf32, #tpu.memory_space<hbm>> -> memref<200000x64xf32, #tpu.memory_space<hbm>>
        tpu.enqueue_indirect_dma source(%dma_start3A_289 : memref<200000x64xf32, #tpu.memory_space<hbm>>) target(%arg11 : memref<128x64xf32, #tpu.memory_space<vmem>>) offsets(%dma_start3A_286 : memref<128xi32, #tpu.memory_space<vmem>>) semaphore(%arg17 : memref<!tpu.dma_semaphore, #tpu.memory_space<semaphore_mem>>)
      } else {
      }
      %sub3A_167 = arith.constant 3 : i32
      %sub3A_168 = arith.subi %add3A_153, %sub3A_167 : i32
      %ge3A_169 = arith.constant 0 : i32
      %ge3A_170 = arith.cmpi sge, %sub3A_168, %ge3A_169 : i32
      %lt3A_171 = arith.constant 50 : i32
      %lt3A_172 = arith.cmpi slt, %sub3A_168, %lt3A_171 : i32
      %and3A_173 = arith.andi %ge3A_170, %lt3A_172 : i1
      %convert_element_type3A_174 = arith.extui %and3A_173 : i1 to i32
      %cond3A_175 = arith.constant 0 : i32
      %cond3A_176 = arith.cmpi ne, %convert_element_type3A_174, %cond3A_175 : i32
      scf.if %cond3A_176 {
        %dma_wait3A_285 = arith.constant 0 : i32
        %dma_wait3A_286 = tpu.memref_slice %arg6[%sub3A_168, %dma_wait3A_285] : memref<50x128xi32, #tpu.memory_space<vmem>> -> memref<1x128xi32, #tpu.memory_space<vmem>>
        %dma_wait3A_287 = tpu.memref_squeeze %dma_wait3A_286 : memref<1x128xi32, #tpu.memory_space<vmem>> -> memref<128xi32, #tpu.memory_space<vmem>>
        %dma_wait3A_288 = arith.constant 0 : i32
        %dma_wait3A_289 = arith.constant 0 : i32
        %dma_wait3A_290 = tpu.memref_slice %arg3[%dma_wait3A_288, %dma_wait3A_289] : memref<200000x64xf32, #tpu.memory_space<hbm>> -> memref<200000x64xf32, #tpu.memory_space<hbm>>
        tpu.wait_indirect_dma semaphore(%arg20 : memref<!tpu.dma_semaphore, #tpu.memory_space<semaphore_mem>>) src(%dma_wait3A_290 : memref<200000x64xf32, #tpu.memory_space<hbm>>) dst(%arg14 : memref<128x64xf32, #tpu.memory_space<vmem>>)
        %dma_start3A = arith.constant 0 : i32
        %dma_start3A_291 = tpu.memref_slice %arg7[%sub3A_168, %dma_start3A] : memref<50x128xi32, #tpu.memory_space<vmem>> -> memref<1x128xi32, #tpu.memory_space<vmem>>
        %dma_start3A_292 = tpu.memref_squeeze %dma_start3A_291 : memref<1x128xi32, #tpu.memory_space<vmem>> -> memref<128xi32, #tpu.memory_space<vmem>>
        %dma_start3A_293 = arith.constant 0 : i32
        %dma_start3A_294 = arith.constant 0 : i32
        %dma_start3A_295 = tpu.memref_slice %arg5[%dma_start3A_293, %dma_start3A_294] : memref<409600x64xf32, #tpu.memory_space<hbm>> -> memref<409600x64xf32, #tpu.memory_space<hbm>>
        tpu.enqueue_indirect_dma source(%arg14 : memref<128x64xf32, #tpu.memory_space<vmem>>) target(%dma_start3A_295 : memref<409600x64xf32, #tpu.memory_space<hbm>>) offsets(%dma_start3A_292 : memref<128xi32, #tpu.memory_space<vmem>>) semaphore(%arg26 : memref<!tpu.dma_semaphore, #tpu.memory_space<semaphore_mem>>)
        %mul3A_296 = arith.constant 128 : i32
        %mul3A_297 = arith.muli %sub3A_168, %mul3A_296 : i32
        %rem3A_298 = arith.constant 50 : i32
        %rem3A_299 = arith.remsi %mul3A_297, %rem3A_298 : i32
        %dma_start3A_300 = arith.constant 0 : i32
        %dma_start3A_301 = tpu.memref_slice %arg9[%rem3A_299, %dma_start3A_300] : memref<178x64xf32, #tpu.memory_space<vmem>> -> memref<128x64xf32, #tpu.memory_space<vmem>>
        %dma_start3A_302 = arith.constant 0 : i32
        %dma_start3A_303 = tpu.memref_slice %arg8[%sub3A_168, %dma_start3A_302] : memref<50x128xi32, #tpu.memory_space<vmem>> -> memref<1x128xi32, #tpu.memory_space<vmem>>
        %dma_start3A_304 = tpu.memref_squeeze %dma_start3A_303 : memref<1x128xi32, #tpu.memory_space<vmem>> -> memref<128xi32, #tpu.memory_space<vmem>>
        %dma_start3A_305 = arith.constant 0 : i32
        %dma_start3A_306 = arith.constant 0 : i32
        %dma_start3A_307 = tpu.memref_slice %arg5[%dma_start3A_305, %dma_start3A_306] : memref<409600x64xf32, #tpu.memory_space<hbm>> -> memref<409600x64xf32, #tpu.memory_space<hbm>>
        tpu.enqueue_indirect_dma source(%dma_start3A_301 : memref<128x64xf32, #tpu.memory_space<vmem>>) target(%dma_start3A_307 : memref<409600x64xf32, #tpu.memory_space<hbm>>) offsets(%dma_start3A_304 : memref<128xi32, #tpu.memory_space<vmem>>) semaphore(%arg32 : memref<!tpu.dma_semaphore, #tpu.memory_space<semaphore_mem>>)
      } else {
      }
      %mul3A_177 = arith.constant 6 : i32
      %mul3A_178 = arith.muli %scan3A_128, %mul3A_177 : i32
      %add3A_179 = arith.constant 2 : i32
      %add3A_180 = arith.addi %mul3A_178, %add3A_179 : i32
      %ge3A_181 = arith.constant 6 : i32
      %ge3A_182 = arith.cmpi sge, %add3A_180, %ge3A_181 : i32
      %lt3A_183 = arith.constant 50 : i32
      %lt3A_184 = arith.cmpi slt, %add3A_180, %lt3A_183 : i32
      %and3A_185 = arith.andi %ge3A_182, %lt3A_184 : i1
      %convert_element_type3A_186 = arith.extui %and3A_185 : i1 to i32
      %cond3A_187 = arith.constant 0 : i32
      %cond3A_188 = arith.cmpi ne, %convert_element_type3A_186, %cond3A_187 : i32
      scf.if %cond3A_188 {
        %sub3A_285 = arith.constant 6 : i32
        %sub3A_286 = arith.subi %add3A_180, %sub3A_285 : i32
        %dma_wait3A_287 = arith.constant 0 : i32
        %dma_wait3A_288 = tpu.memref_slice %arg7[%sub3A_286, %dma_wait3A_287] : memref<50x128xi32, #tpu.memory_space<vmem>> -> memref<1x128xi32, #tpu.memory_space<vmem>>
        %dma_wait3A_289 = tpu.memref_squeeze %dma_wait3A_288 : memref<1x128xi32, #tpu.memory_space<vmem>> -> memref<128xi32, #tpu.memory_space<vmem>>
        %dma_wait3A_290 = arith.constant 0 : i32
        %dma_wait3A_291 = arith.constant 0 : i32
        %dma_wait3A_292 = tpu.memref_slice %arg5[%dma_wait3A_290, %dma_wait3A_291] : memref<409600x64xf32, #tpu.memory_space<hbm>> -> memref<409600x64xf32, #tpu.memory_space<hbm>>
        tpu.wait_indirect_dma semaphore(%arg24 : memref<!tpu.dma_semaphore, #tpu.memory_space<semaphore_mem>>) src(%arg12 : memref<128x64xf32, #tpu.memory_space<vmem>>) dst(%dma_wait3A_292 : memref<409600x64xf32, #tpu.memory_space<hbm>>)
        %mul3A_293 = arith.constant 128 : i32
        %mul3A_294 = arith.muli %sub3A_286, %mul3A_293 : i32
        %rem3A_295 = arith.constant 50 : i32
        %rem3A_296 = arith.remsi %mul3A_294, %rem3A_295 : i32
        %dma_wait3A_297 = arith.constant 0 : i32
        %dma_wait3A_298 = tpu.memref_slice %arg9[%rem3A_296, %dma_wait3A_297] : memref<178x64xf32, #tpu.memory_space<vmem>> -> memref<128x64xf32, #tpu.memory_space<vmem>>
        %dma_wait3A_299 = arith.constant 0 : i32
        %dma_wait3A_300 = tpu.memref_slice %arg8[%sub3A_286, %dma_wait3A_299] : memref<50x128xi32, #tpu.memory_space<vmem>> -> memref<1x128xi32, #tpu.memory_space<vmem>>
        %dma_wait3A_301 = tpu.memref_squeeze %dma_wait3A_300 : memref<1x128xi32, #tpu.memory_space<vmem>> -> memref<128xi32, #tpu.memory_space<vmem>>
        %dma_wait3A_302 = arith.constant 0 : i32
        %dma_wait3A_303 = arith.constant 0 : i32
        %dma_wait3A_304 = tpu.memref_slice %arg5[%dma_wait3A_302, %dma_wait3A_303] : memref<409600x64xf32, #tpu.memory_space<hbm>> -> memref<409600x64xf32, #tpu.memory_space<hbm>>
        tpu.wait_indirect_dma semaphore(%arg30 : memref<!tpu.dma_semaphore, #tpu.memory_space<semaphore_mem>>) src(%dma_wait3A_298 : memref<128x64xf32, #tpu.memory_space<vmem>>) dst(%dma_wait3A_304 : memref<409600x64xf32, #tpu.memory_space<hbm>>)
      } else {
      }
      %lt3A_189 = arith.constant 50 : i32
      %lt3A_190 = arith.cmpi slt, %add3A_180, %lt3A_189 : i32
      %convert_element_type3A_191 = arith.extui %lt3A_190 : i1 to i32
      %cond3A_192 = arith.constant 0 : i32
      %cond3A_193 = arith.cmpi ne, %convert_element_type3A_191, %cond3A_192 : i32
      scf.if %cond3A_193 {
        %dma_start3A = arith.constant 0 : i32
        %dma_start3A_285 = tpu.memref_slice %arg6[%add3A_180, %dma_start3A] : memref<50x128xi32, #tpu.memory_space<vmem>> -> memref<1x128xi32, #tpu.memory_space<vmem>>
        %dma_start3A_286 = tpu.memref_squeeze %dma_start3A_285 : memref<1x128xi32, #tpu.memory_space<vmem>> -> memref<128xi32, #tpu.memory_space<vmem>>
        %dma_start3A_287 = arith.constant 0 : i32
        %dma_start3A_288 = arith.constant 0 : i32
        %dma_start3A_289 = tpu.memref_slice %arg3[%dma_start3A_287, %dma_start3A_288] : memref<200000x64xf32, #tpu.memory_space<hbm>> -> memref<200000x64xf32, #tpu.memory_space<hbm>>
        tpu.enqueue_indirect_dma source(%dma_start3A_289 : memref<200000x64xf32, #tpu.memory_space<hbm>>) target(%arg12 : memref<128x64xf32, #tpu.memory_space<vmem>>) offsets(%dma_start3A_286 : memref<128xi32, #tpu.memory_space<vmem>>) semaphore(%arg18 : memref<!tpu.dma_semaphore, #tpu.memory_space<semaphore_mem>>)
      } else {
      }
      %sub3A_194 = arith.constant 3 : i32
      %sub3A_195 = arith.subi %add3A_180, %sub3A_194 : i32
      %ge3A_196 = arith.constant 0 : i32
      %ge3A_197 = arith.cmpi sge, %sub3A_195, %ge3A_196 : i32
      %lt3A_198 = arith.constant 50 : i32
      %lt3A_199 = arith.cmpi slt, %sub3A_195, %lt3A_198 : i32
      %and3A_200 = arith.andi %ge3A_197, %lt3A_199 : i1
      %convert_element_type3A_201 = arith.extui %and3A_200 : i1 to i32
      %cond3A_202 = arith.constant 0 : i32
      %cond3A_203 = arith.cmpi ne, %convert_element_type3A_201, %cond3A_202 : i32
      scf.if %cond3A_203 {
        %dma_wait3A_285 = arith.constant 0 : i32
        %dma_wait3A_286 = tpu.memref_slice %arg6[%sub3A_195, %dma_wait3A_285] : memref<50x128xi32, #tpu.memory_space<vmem>> -> memref<1x128xi32, #tpu.memory_space<vmem>>
        %dma_wait3A_287 = tpu.memref_squeeze %dma_wait3A_286 : memref<1x128xi32, #tpu.memory_space<vmem>> -> memref<128xi32, #tpu.memory_space<vmem>>
        %dma_wait3A_288 = arith.constant 0 : i32
        %dma_wait3A_289 = arith.constant 0 : i32
        %dma_wait3A_290 = tpu.memref_slice %arg3[%dma_wait3A_288, %dma_wait3A_289] : memref<200000x64xf32, #tpu.memory_space<hbm>> -> memref<200000x64xf32, #tpu.memory_space<hbm>>
        tpu.wait_indirect_dma semaphore(%arg21 : memref<!tpu.dma_semaphore, #tpu.memory_space<semaphore_mem>>) src(%dma_wait3A_290 : memref<200000x64xf32, #tpu.memory_space<hbm>>) dst(%arg15 : memref<128x64xf32, #tpu.memory_space<vmem>>)
        %dma_start3A = arith.constant 0 : i32
        %dma_start3A_291 = tpu.memref_slice %arg7[%sub3A_195, %dma_start3A] : memref<50x128xi32, #tpu.memory_space<vmem>> -> memref<1x128xi32, #tpu.memory_space<vmem>>
        %dma_start3A_292 = tpu.memref_squeeze %dma_start3A_291 : memref<1x128xi32, #tpu.memory_space<vmem>> -> memref<128xi32, #tpu.memory_space<vmem>>
        %dma_start3A_293 = arith.constant 0 : i32
        %dma_start3A_294 = arith.constant 0 : i32
        %dma_start3A_295 = tpu.memref_slice %arg5[%dma_start3A_293, %dma_start3A_294] : memref<409600x64xf32, #tpu.memory_space<hbm>> -> memref<409600x64xf32, #tpu.memory_space<hbm>>
        tpu.enqueue_indirect_dma source(%arg15 : memref<128x64xf32, #tpu.memory_space<vmem>>) target(%dma_start3A_295 : memref<409600x64xf32, #tpu.memory_space<hbm>>) offsets(%dma_start3A_292 : memref<128xi32, #tpu.memory_space<vmem>>) semaphore(%arg27 : memref<!tpu.dma_semaphore, #tpu.memory_space<semaphore_mem>>)
        %mul3A_296 = arith.constant 128 : i32
        %mul3A_297 = arith.muli %sub3A_195, %mul3A_296 : i32
        %rem3A_298 = arith.constant 50 : i32
        %rem3A_299 = arith.remsi %mul3A_297, %rem3A_298 : i32
        %dma_start3A_300 = arith.constant 0 : i32
        %dma_start3A_301 = tpu.memref_slice %arg9[%rem3A_299, %dma_start3A_300] : memref<178x64xf32, #tpu.memory_space<vmem>> -> memref<128x64xf32, #tpu.memory_space<vmem>>
        %dma_start3A_302 = arith.constant 0 : i32
        %dma_start3A_303 = tpu.memref_slice %arg8[%sub3A_195, %dma_start3A_302] : memref<50x128xi32, #tpu.memory_space<vmem>> -> memref<1x128xi32, #tpu.memory_space<vmem>>
        %dma_start3A_304 = tpu.memref_squeeze %dma_start3A_303 : memref<1x128xi32, #tpu.memory_space<vmem>> -> memref<128xi32, #tpu.memory_space<vmem>>
        %dma_start3A_305 = arith.constant 0 : i32
        %dma_start3A_306 = arith.constant 0 : i32
        %dma_start3A_307 = tpu.memref_slice %arg5[%dma_start3A_305, %dma_start3A_306] : memref<409600x64xf32, #tpu.memory_space<hbm>> -> memref<409600x64xf32, #tpu.memory_space<hbm>>
        tpu.enqueue_indirect_dma source(%dma_start3A_301 : memref<128x64xf32, #tpu.memory_space<vmem>>) target(%dma_start3A_307 : memref<409600x64xf32, #tpu.memory_space<hbm>>) offsets(%dma_start3A_304 : memref<128xi32, #tpu.memory_space<vmem>>) semaphore(%arg33 : memref<!tpu.dma_semaphore, #tpu.memory_space<semaphore_mem>>)
      } else {
      }
      %mul3A_204 = arith.constant 6 : i32
      %mul3A_205 = arith.muli %scan3A_128, %mul3A_204 : i32
      %add3A_206 = arith.constant 3 : i32
      %add3A_207 = arith.addi %mul3A_205, %add3A_206 : i32
      %ge3A_208 = arith.constant 6 : i32
      %ge3A_209 = arith.cmpi sge, %add3A_207, %ge3A_208 : i32
      %lt3A_210 = arith.constant 50 : i32
      %lt3A_211 = arith.cmpi slt, %add3A_207, %lt3A_210 : i32
      %and3A_212 = arith.andi %ge3A_209, %lt3A_211 : i1
      %convert_element_type3A_213 = arith.extui %and3A_212 : i1 to i32
      %cond3A_214 = arith.constant 0 : i32
      %cond3A_215 = arith.cmpi ne, %convert_element_type3A_213, %cond3A_214 : i32
      scf.if %cond3A_215 {
        %sub3A_285 = arith.constant 6 : i32
        %sub3A_286 = arith.subi %add3A_207, %sub3A_285 : i32
        %dma_wait3A_287 = arith.constant 0 : i32
        %dma_wait3A_288 = tpu.memref_slice %arg7[%sub3A_286, %dma_wait3A_287] : memref<50x128xi32, #tpu.memory_space<vmem>> -> memref<1x128xi32, #tpu.memory_space<vmem>>
        %dma_wait3A_289 = tpu.memref_squeeze %dma_wait3A_288 : memref<1x128xi32, #tpu.memory_space<vmem>> -> memref<128xi32, #tpu.memory_space<vmem>>
        %dma_wait3A_290 = arith.constant 0 : i32
        %dma_wait3A_291 = arith.constant 0 : i32
        %dma_wait3A_292 = tpu.memref_slice %arg5[%dma_wait3A_290, %dma_wait3A_291] : memref<409600x64xf32, #tpu.memory_space<hbm>> -> memref<409600x64xf32, #tpu.memory_space<hbm>>
        tpu.wait_indirect_dma semaphore(%arg25 : memref<!tpu.dma_semaphore, #tpu.memory_space<semaphore_mem>>) src(%arg13 : memref<128x64xf32, #tpu.memory_space<vmem>>) dst(%dma_wait3A_292 : memref<409600x64xf32, #tpu.memory_space<hbm>>)
        %mul3A_293 = arith.constant 128 : i32
        %mul3A_294 = arith.muli %sub3A_286, %mul3A_293 : i32
        %rem3A_295 = arith.constant 50 : i32
        %rem3A_296 = arith.remsi %mul3A_294, %rem3A_295 : i32
        %dma_wait3A_297 = arith.constant 0 : i32
        %dma_wait3A_298 = tpu.memref_slice %arg9[%rem3A_296, %dma_wait3A_297] : memref<178x64xf32, #tpu.memory_space<vmem>> -> memref<128x64xf32, #tpu.memory_space<vmem>>
        %dma_wait3A_299 = arith.constant 0 : i32
        %dma_wait3A_300 = tpu.memref_slice %arg8[%sub3A_286, %dma_wait3A_299] : memref<50x128xi32, #tpu.memory_space<vmem>> -> memref<1x128xi32, #tpu.memory_space<vmem>>
        %dma_wait3A_301 = tpu.memref_squeeze %dma_wait3A_300 : memref<1x128xi32, #tpu.memory_space<vmem>> -> memref<128xi32, #tpu.memory_space<vmem>>
        %dma_wait3A_302 = arith.constant 0 : i32
        %dma_wait3A_303 = arith.constant 0 : i32
        %dma_wait3A_304 = tpu.memref_slice %arg5[%dma_wait3A_302, %dma_wait3A_303] : memref<409600x64xf32, #tpu.memory_space<hbm>> -> memref<409600x64xf32, #tpu.memory_space<hbm>>
        tpu.wait_indirect_dma semaphore(%arg31 : memref<!tpu.dma_semaphore, #tpu.memory_space<semaphore_mem>>) src(%dma_wait3A_298 : memref<128x64xf32, #tpu.memory_space<vmem>>) dst(%dma_wait3A_304 : memref<409600x64xf32, #tpu.memory_space<hbm>>)
      } else {
      }
      %lt3A_216 = arith.constant 50 : i32
      %lt3A_217 = arith.cmpi slt, %add3A_207, %lt3A_216 : i32
      %convert_element_type3A_218 = arith.extui %lt3A_217 : i1 to i32
      %cond3A_219 = arith.constant 0 : i32
      %cond3A_220 = arith.cmpi ne, %convert_element_type3A_218, %cond3A_219 : i32
      scf.if %cond3A_220 {
        %dma_start3A = arith.constant 0 : i32
        %dma_start3A_285 = tpu.memref_slice %arg6[%add3A_207, %dma_start3A] : memref<50x128xi32, #tpu.memory_space<vmem>> -> memref<1x128xi32, #tpu.memory_space<vmem>>
        %dma_start3A_286 = tpu.memref_squeeze %dma_start3A_285 : memref<1x128xi32, #tpu.memory_space<vmem>> -> memref<128xi32, #tpu.memory_space<vmem>>
        %dma_start3A_287 = arith.constant 0 : i32
        %dma_start3A_288 = arith.constant 0 : i32
        %dma_start3A_289 = tpu.memref_slice %arg3[%dma_start3A_287, %dma_start3A_288] : memref<200000x64xf32, #tpu.memory_space<hbm>> -> memref<200000x64xf32, #tpu.memory_space<hbm>>
        tpu.enqueue_indirect_dma source(%dma_start3A_289 : memref<200000x64xf32, #tpu.memory_space<hbm>>) target(%arg13 : memref<128x64xf32, #tpu.memory_space<vmem>>) offsets(%dma_start3A_286 : memref<128xi32, #tpu.memory_space<vmem>>) semaphore(%arg19 : memref<!tpu.dma_semaphore, #tpu.memory_space<semaphore_mem>>)
      } else {
      }
      %sub3A_221 = arith.constant 3 : i32
      %sub3A_222 = arith.subi %add3A_207, %sub3A_221 : i32
      %ge3A_223 = arith.constant 0 : i32
      %ge3A_224 = arith.cmpi sge, %sub3A_222, %ge3A_223 : i32
      %lt3A_225 = arith.constant 50 : i32
      %lt3A_226 = arith.cmpi slt, %sub3A_222, %lt3A_225 : i32
      %and3A_227 = arith.andi %ge3A_224, %lt3A_226 : i1
      %convert_element_type3A_228 = arith.extui %and3A_227 : i1 to i32
      %cond3A_229 = arith.constant 0 : i32
      %cond3A_230 = arith.cmpi ne, %convert_element_type3A_228, %cond3A_229 : i32
      scf.if %cond3A_230 {
        %dma_wait3A_285 = arith.constant 0 : i32
        %dma_wait3A_286 = tpu.memref_slice %arg6[%sub3A_222, %dma_wait3A_285] : memref<50x128xi32, #tpu.memory_space<vmem>> -> memref<1x128xi32, #tpu.memory_space<vmem>>
        %dma_wait3A_287 = tpu.memref_squeeze %dma_wait3A_286 : memref<1x128xi32, #tpu.memory_space<vmem>> -> memref<128xi32, #tpu.memory_space<vmem>>
        %dma_wait3A_288 = arith.constant 0 : i32
        %dma_wait3A_289 = arith.constant 0 : i32
        %dma_wait3A_290 = tpu.memref_slice %arg3[%dma_wait3A_288, %dma_wait3A_289] : memref<200000x64xf32, #tpu.memory_space<hbm>> -> memref<200000x64xf32, #tpu.memory_space<hbm>>
        tpu.wait_indirect_dma semaphore(%arg16 : memref<!tpu.dma_semaphore, #tpu.memory_space<semaphore_mem>>) src(%dma_wait3A_290 : memref<200000x64xf32, #tpu.memory_space<hbm>>) dst(%arg10 : memref<128x64xf32, #tpu.memory_space<vmem>>)
        %dma_start3A = arith.constant 0 : i32
        %dma_start3A_291 = tpu.memref_slice %arg7[%sub3A_222, %dma_start3A] : memref<50x128xi32, #tpu.memory_space<vmem>> -> memref<1x128xi32, #tpu.memory_space<vmem>>
        %dma_start3A_292 = tpu.memref_squeeze %dma_start3A_291 : memref<1x128xi32, #tpu.memory_space<vmem>> -> memref<128xi32, #tpu.memory_space<vmem>>
        %dma_start3A_293 = arith.constant 0 : i32
        %dma_start3A_294 = arith.constant 0 : i32
        %dma_start3A_295 = tpu.memref_slice %arg5[%dma_start3A_293, %dma_start3A_294] : memref<409600x64xf32, #tpu.memory_space<hbm>> -> memref<409600x64xf32, #tpu.memory_space<hbm>>
        tpu.enqueue_indirect_dma source(%arg10 : memref<128x64xf32, #tpu.memory_space<vmem>>) target(%dma_start3A_295 : memref<409600x64xf32, #tpu.memory_space<hbm>>) offsets(%dma_start3A_292 : memref<128xi32, #tpu.memory_space<vmem>>) semaphore(%arg22 : memref<!tpu.dma_semaphore, #tpu.memory_space<semaphore_mem>>)
        %mul3A_296 = arith.constant 128 : i32
        %mul3A_297 = arith.muli %sub3A_222, %mul3A_296 : i32
        %rem3A_298 = arith.constant 50 : i32
        %rem3A_299 = arith.remsi %mul3A_297, %rem3A_298 : i32
        %dma_start3A_300 = arith.constant 0 : i32
        %dma_start3A_301 = tpu.memref_slice %arg9[%rem3A_299, %dma_start3A_300] : memref<178x64xf32, #tpu.memory_space<vmem>> -> memref<128x64xf32, #tpu.memory_space<vmem>>
        %dma_start3A_302 = arith.constant 0 : i32
        %dma_start3A_303 = tpu.memref_slice %arg8[%sub3A_222, %dma_start3A_302] : memref<50x128xi32, #tpu.memory_space<vmem>> -> memref<1x128xi32, #tpu.memory_space<vmem>>
        %dma_start3A_304 = tpu.memref_squeeze %dma_start3A_303 : memref<1x128xi32, #tpu.memory_space<vmem>> -> memref<128xi32, #tpu.memory_space<vmem>>
        %dma_start3A_305 = arith.constant 0 : i32
        %dma_start3A_306 = arith.constant 0 : i32
        %dma_start3A_307 = tpu.memref_slice %arg5[%dma_start3A_305, %dma_start3A_306] : memref<409600x64xf32, #tpu.memory_space<hbm>> -> memref<409600x64xf32, #tpu.memory_space<hbm>>
        tpu.enqueue_indirect_dma source(%dma_start3A_301 : memref<128x64xf32, #tpu.memory_space<vmem>>) target(%dma_start3A_307 : memref<409600x64xf32, #tpu.memory_space<hbm>>) offsets(%dma_start3A_304 : memref<128xi32, #tpu.memory_space<vmem>>) semaphore(%arg28 : memref<!tpu.dma_semaphore, #tpu.memory_space<semaphore_mem>>)
      } else {
      }
      %mul3A_231 = arith.constant 6 : i32
      %mul3A_232 = arith.muli %scan3A_128, %mul3A_231 : i32
      %add3A_233 = arith.constant 4 : i32
      %add3A_234 = arith.addi %mul3A_232, %add3A_233 : i32
      %ge3A_235 = arith.constant 6 : i32
      %ge3A_236 = arith.cmpi sge, %add3A_234, %ge3A_235 : i32
      %lt3A_237 = arith.constant 50 : i32
      %lt3A_238 = arith.cmpi slt, %add3A_234, %lt3A_237 : i32
      %and3A_239 = arith.andi %ge3A_236, %lt3A_238 : i1
      %convert_element_type3A_240 = arith.extui %and3A_239 : i1 to i32
      %cond3A_241 = arith.constant 0 : i32
      %cond3A_242 = arith.cmpi ne, %convert_element_type3A_240, %cond3A_241 : i32
      scf.if %cond3A_242 {
        %sub3A_285 = arith.constant 6 : i32
        %sub3A_286 = arith.subi %add3A_234, %sub3A_285 : i32
        %dma_wait3A_287 = arith.constant 0 : i32
        %dma_wait3A_288 = tpu.memref_slice %arg7[%sub3A_286, %dma_wait3A_287] : memref<50x128xi32, #tpu.memory_space<vmem>> -> memref<1x128xi32, #tpu.memory_space<vmem>>
        %dma_wait3A_289 = tpu.memref_squeeze %dma_wait3A_288 : memref<1x128xi32, #tpu.memory_space<vmem>> -> memref<128xi32, #tpu.memory_space<vmem>>
        %dma_wait3A_290 = arith.constant 0 : i32
        %dma_wait3A_291 = arith.constant 0 : i32
        %dma_wait3A_292 = tpu.memref_slice %arg5[%dma_wait3A_290, %dma_wait3A_291] : memref<409600x64xf32, #tpu.memory_space<hbm>> -> memref<409600x64xf32, #tpu.memory_space<hbm>>
        tpu.wait_indirect_dma semaphore(%arg26 : memref<!tpu.dma_semaphore, #tpu.memory_space<semaphore_mem>>) src(%arg14 : memref<128x64xf32, #tpu.memory_space<vmem>>) dst(%dma_wait3A_292 : memref<409600x64xf32, #tpu.memory_space<hbm>>)
        %mul3A_293 = arith.constant 128 : i32
        %mul3A_294 = arith.muli %sub3A_286, %mul3A_293 : i32
        %rem3A_295 = arith.constant 50 : i32
        %rem3A_296 = arith.remsi %mul3A_294, %rem3A_295 : i32
        %dma_wait3A_297 = arith.constant 0 : i32
        %dma_wait3A_298 = tpu.memref_slice %arg9[%rem3A_296, %dma_wait3A_297] : memref<178x64xf32, #tpu.memory_space<vmem>> -> memref<128x64xf32, #tpu.memory_space<vmem>>
        %dma_wait3A_299 = arith.constant 0 : i32
        %dma_wait3A_300 = tpu.memref_slice %arg8[%sub3A_286, %dma_wait3A_299] : memref<50x128xi32, #tpu.memory_space<vmem>> -> memref<1x128xi32, #tpu.memory_space<vmem>>
        %dma_wait3A_301 = tpu.memref_squeeze %dma_wait3A_300 : memref<1x128xi32, #tpu.memory_space<vmem>> -> memref<128xi32, #tpu.memory_space<vmem>>
        %dma_wait3A_302 = arith.constant 0 : i32
        %dma_wait3A_303 = arith.constant 0 : i32
        %dma_wait3A_304 = tpu.memref_slice %arg5[%dma_wait3A_302, %dma_wait3A_303] : memref<409600x64xf32, #tpu.memory_space<hbm>> -> memref<409600x64xf32, #tpu.memory_space<hbm>>
        tpu.wait_indirect_dma semaphore(%arg32 : memref<!tpu.dma_semaphore, #tpu.memory_space<semaphore_mem>>) src(%dma_wait3A_298 : memref<128x64xf32, #tpu.memory_space<vmem>>) dst(%dma_wait3A_304 : memref<409600x64xf32, #tpu.memory_space<hbm>>)
      } else {
      }
      %lt3A_243 = arith.constant 50 : i32
      %lt3A_244 = arith.cmpi slt, %add3A_234, %lt3A_243 : i32
      %convert_element_type3A_245 = arith.extui %lt3A_244 : i1 to i32
      %cond3A_246 = arith.constant 0 : i32
      %cond3A_247 = arith.cmpi ne, %convert_element_type3A_245, %cond3A_246 : i32
      scf.if %cond3A_247 {
        %dma_start3A = arith.constant 0 : i32
        %dma_start3A_285 = tpu.memref_slice %arg6[%add3A_234, %dma_start3A] : memref<50x128xi32, #tpu.memory_space<vmem>> -> memref<1x128xi32, #tpu.memory_space<vmem>>
        %dma_start3A_286 = tpu.memref_squeeze %dma_start3A_285 : memref<1x128xi32, #tpu.memory_space<vmem>> -> memref<128xi32, #tpu.memory_space<vmem>>
        %dma_start3A_287 = arith.constant 0 : i32
        %dma_start3A_288 = arith.constant 0 : i32
        %dma_start3A_289 = tpu.memref_slice %arg3[%dma_start3A_287, %dma_start3A_288] : memref<200000x64xf32, #tpu.memory_space<hbm>> -> memref<200000x64xf32, #tpu.memory_space<hbm>>
        tpu.enqueue_indirect_dma source(%dma_start3A_289 : memref<200000x64xf32, #tpu.memory_space<hbm>>) target(%arg14 : memref<128x64xf32, #tpu.memory_space<vmem>>) offsets(%dma_start3A_286 : memref<128xi32, #tpu.memory_space<vmem>>) semaphore(%arg20 : memref<!tpu.dma_semaphore, #tpu.memory_space<semaphore_mem>>)
      } else {
      }
      %sub3A_248 = arith.constant 3 : i32
      %sub3A_249 = arith.subi %add3A_234, %sub3A_248 : i32
      %ge3A_250 = arith.constant 0 : i32
      %ge3A_251 = arith.cmpi sge, %sub3A_249, %ge3A_250 : i32
      %lt3A_252 = arith.constant 50 : i32
      %lt3A_253 = arith.cmpi slt, %sub3A_249, %lt3A_252 : i32
      %and3A_254 = arith.andi %ge3A_251, %lt3A_253 : i1
      %convert_element_type3A_255 = arith.extui %and3A_254 : i1 to i32
      %cond3A_256 = arith.constant 0 : i32
      %cond3A_257 = arith.cmpi ne, %convert_element_type3A_255, %cond3A_256 : i32
      scf.if %cond3A_257 {
        %dma_wait3A_285 = arith.constant 0 : i32
        %dma_wait3A_286 = tpu.memref_slice %arg6[%sub3A_249, %dma_wait3A_285] : memref<50x128xi32, #tpu.memory_space<vmem>> -> memref<1x128xi32, #tpu.memory_space<vmem>>
        %dma_wait3A_287 = tpu.memref_squeeze %dma_wait3A_286 : memref<1x128xi32, #tpu.memory_space<vmem>> -> memref<128xi32, #tpu.memory_space<vmem>>
        %dma_wait3A_288 = arith.constant 0 : i32
        %dma_wait3A_289 = arith.constant 0 : i32
        %dma_wait3A_290 = tpu.memref_slice %arg3[%dma_wait3A_288, %dma_wait3A_289] : memref<200000x64xf32, #tpu.memory_space<hbm>> -> memref<200000x64xf32, #tpu.memory_space<hbm>>
        tpu.wait_indirect_dma semaphore(%arg17 : memref<!tpu.dma_semaphore, #tpu.memory_space<semaphore_mem>>) src(%dma_wait3A_290 : memref<200000x64xf32, #tpu.memory_space<hbm>>) dst(%arg11 : memref<128x64xf32, #tpu.memory_space<vmem>>)
        %dma_start3A = arith.constant 0 : i32
        %dma_start3A_291 = tpu.memref_slice %arg7[%sub3A_249, %dma_start3A] : memref<50x128xi32, #tpu.memory_space<vmem>> -> memref<1x128xi32, #tpu.memory_space<vmem>>
        %dma_start3A_292 = tpu.memref_squeeze %dma_start3A_291 : memref<1x128xi32, #tpu.memory_space<vmem>> -> memref<128xi32, #tpu.memory_space<vmem>>
        %dma_start3A_293 = arith.constant 0 : i32
        %dma_start3A_294 = arith.constant 0 : i32
        %dma_start3A_295 = tpu.memref_slice %arg5[%dma_start3A_293, %dma_start3A_294] : memref<409600x64xf32, #tpu.memory_space<hbm>> -> memref<409600x64xf32, #tpu.memory_space<hbm>>
        tpu.enqueue_indirect_dma source(%arg11 : memref<128x64xf32, #tpu.memory_space<vmem>>) target(%dma_start3A_295 : memref<409600x64xf32, #tpu.memory_space<hbm>>) offsets(%dma_start3A_292 : memref<128xi32, #tpu.memory_space<vmem>>) semaphore(%arg23 : memref<!tpu.dma_semaphore, #tpu.memory_space<semaphore_mem>>)
        %mul3A_296 = arith.constant 128 : i32
        %mul3A_297 = arith.muli %sub3A_249, %mul3A_296 : i32
        %rem3A_298 = arith.constant 50 : i32
        %rem3A_299 = arith.remsi %mul3A_297, %rem3A_298 : i32
        %dma_start3A_300 = arith.constant 0 : i32
        %dma_start3A_301 = tpu.memref_slice %arg9[%rem3A_299, %dma_start3A_300] : memref<178x64xf32, #tpu.memory_space<vmem>> -> memref<128x64xf32, #tpu.memory_space<vmem>>
        %dma_start3A_302 = arith.constant 0 : i32
        %dma_start3A_303 = tpu.memref_slice %arg8[%sub3A_249, %dma_start3A_302] : memref<50x128xi32, #tpu.memory_space<vmem>> -> memref<1x128xi32, #tpu.memory_space<vmem>>
        %dma_start3A_304 = tpu.memref_squeeze %dma_start3A_303 : memref<1x128xi32, #tpu.memory_space<vmem>> -> memref<128xi32, #tpu.memory_space<vmem>>
        %dma_start3A_305 = arith.constant 0 : i32
        %dma_start3A_306 = arith.constant 0 : i32
        %dma_start3A_307 = tpu.memref_slice %arg5[%dma_start3A_305, %dma_start3A_306] : memref<409600x64xf32, #tpu.memory_space<hbm>> -> memref<409600x64xf32, #tpu.memory_space<hbm>>
        tpu.enqueue_indirect_dma source(%dma_start3A_301 : memref<128x64xf32, #tpu.memory_space<vmem>>) target(%dma_start3A_307 : memref<409600x64xf32, #tpu.memory_space<hbm>>) offsets(%dma_start3A_304 : memref<128xi32, #tpu.memory_space<vmem>>) semaphore(%arg29 : memref<!tpu.dma_semaphore, #tpu.memory_space<semaphore_mem>>)
      } else {
      }
      %mul3A_258 = arith.constant 6 : i32
      %mul3A_259 = arith.muli %scan3A_128, %mul3A_258 : i32
      %add3A_260 = arith.constant 5 : i32
      %add3A_261 = arith.addi %mul3A_259, %add3A_260 : i32
      %ge3A_262 = arith.constant 6 : i32
      %ge3A_263 = arith.cmpi sge, %add3A_261, %ge3A_262 : i32
      %lt3A_264 = arith.constant 50 : i32
      %lt3A_265 = arith.cmpi slt, %add3A_261, %lt3A_264 : i32
      %and3A_266 = arith.andi %ge3A_263, %lt3A_265 : i1
      %convert_element_type3A_267 = arith.extui %and3A_266 : i1 to i32
      %cond3A_268 = arith.constant 0 : i32
      %cond3A_269 = arith.cmpi ne, %convert_element_type3A_267, %cond3A_268 : i32
      scf.if %cond3A_269 {
        %sub3A_285 = arith.constant 6 : i32
        %sub3A_286 = arith.subi %add3A_261, %sub3A_285 : i32
        %dma_wait3A_287 = arith.constant 0 : i32
        %dma_wait3A_288 = tpu.memref_slice %arg7[%sub3A_286, %dma_wait3A_287] : memref<50x128xi32, #tpu.memory_space<vmem>> -> memref<1x128xi32, #tpu.memory_space<vmem>>
        %dma_wait3A_289 = tpu.memref_squeeze %dma_wait3A_288 : memref<1x128xi32, #tpu.memory_space<vmem>> -> memref<128xi32, #tpu.memory_space<vmem>>
        %dma_wait3A_290 = arith.constant 0 : i32
        %dma_wait3A_291 = arith.constant 0 : i32
        %dma_wait3A_292 = tpu.memref_slice %arg5[%dma_wait3A_290, %dma_wait3A_291] : memref<409600x64xf32, #tpu.memory_space<hbm>> -> memref<409600x64xf32, #tpu.memory_space<hbm>>
        tpu.wait_indirect_dma semaphore(%arg27 : memref<!tpu.dma_semaphore, #tpu.memory_space<semaphore_mem>>) src(%arg15 : memref<128x64xf32, #tpu.memory_space<vmem>>) dst(%dma_wait3A_292 : memref<409600x64xf32, #tpu.memory_space<hbm>>)
        %mul3A_293 = arith.constant 128 : i32
        %mul3A_294 = arith.muli %sub3A_286, %mul3A_293 : i32
        %rem3A_295 = arith.constant 50 : i32
        %rem3A_296 = arith.remsi %mul3A_294, %rem3A_295 : i32
        %dma_wait3A_297 = arith.constant 0 : i32
        %dma_wait3A_298 = tpu.memref_slice %arg9[%rem3A_296, %dma_wait3A_297] : memref<178x64xf32, #tpu.memory_space<vmem>> -> memref<128x64xf32, #tpu.memory_space<vmem>>
        %dma_wait3A_299 = arith.constant 0 : i32
        %dma_wait3A_300 = tpu.memref_slice %arg8[%sub3A_286, %dma_wait3A_299] : memref<50x128xi32, #tpu.memory_space<vmem>> -> memref<1x128xi32, #tpu.memory_space<vmem>>
        %dma_wait3A_301 = tpu.memref_squeeze %dma_wait3A_300 : memref<1x128xi32, #tpu.memory_space<vmem>> -> memref<128xi32, #tpu.memory_space<vmem>>
        %dma_wait3A_302 = arith.constant 0 : i32
        %dma_wait3A_303 = arith.constant 0 : i32
        %dma_wait3A_304 = tpu.memref_slice %arg5[%dma_wait3A_302, %dma_wait3A_303] : memref<409600x64xf32, #tpu.memory_space<hbm>> -> memref<409600x64xf32, #tpu.memory_space<hbm>>
        tpu.wait_indirect_dma semaphore(%arg33 : memref<!tpu.dma_semaphore, #tpu.memory_space<semaphore_mem>>) src(%dma_wait3A_298 : memref<128x64xf32, #tpu.memory_space<vmem>>) dst(%dma_wait3A_304 : memref<409600x64xf32, #tpu.memory_space<hbm>>)
      } else {
      }
      %lt3A_270 = arith.constant 50 : i32
      %lt3A_271 = arith.cmpi slt, %add3A_261, %lt3A_270 : i32
      %convert_element_type3A_272 = arith.extui %lt3A_271 : i1 to i32
      %cond3A_273 = arith.constant 0 : i32
      %cond3A_274 = arith.cmpi ne, %convert_element_type3A_272, %cond3A_273 : i32
      scf.if %cond3A_274 {
        %dma_start3A = arith.constant 0 : i32
        %dma_start3A_285 = tpu.memref_slice %arg6[%add3A_261, %dma_start3A] : memref<50x128xi32, #tpu.memory_space<vmem>> -> memref<1x128xi32, #tpu.memory_space<vmem>>
        %dma_start3A_286 = tpu.memref_squeeze %dma_start3A_285 : memref<1x128xi32, #tpu.memory_space<vmem>> -> memref<128xi32, #tpu.memory_space<vmem>>
        %dma_start3A_287 = arith.constant 0 : i32
        %dma_start3A_288 = arith.constant 0 : i32
        %dma_start3A_289 = tpu.memref_slice %arg3[%dma_start3A_287, %dma_start3A_288] : memref<200000x64xf32, #tpu.memory_space<hbm>> -> memref<200000x64xf32, #tpu.memory_space<hbm>>
        tpu.enqueue_indirect_dma source(%dma_start3A_289 : memref<200000x64xf32, #tpu.memory_space<hbm>>) target(%arg15 : memref<128x64xf32, #tpu.memory_space<vmem>>) offsets(%dma_start3A_286 : memref<128xi32, #tpu.memory_space<vmem>>) semaphore(%arg21 : memref<!tpu.dma_semaphore, #tpu.memory_space<semaphore_mem>>)
      } else {
      }
      %sub3A_275 = arith.constant 3 : i32
      %sub3A_276 = arith.subi %add3A_261, %sub3A_275 : i32
      %ge3A_277 = arith.constant 0 : i32
      %ge3A_278 = arith.cmpi sge, %sub3A_276, %ge3A_277 : i32
      %lt3A_279 = arith.constant 50 : i32
      %lt3A_280 = arith.cmpi slt, %sub3A_276, %lt3A_279 : i32
      %and3A_281 = arith.andi %ge3A_278, %lt3A_280 : i1
      %convert_element_type3A_282 = arith.extui %and3A_281 : i1 to i32
      %cond3A_283 = arith.constant 0 : i32
      %cond3A_284 = arith.cmpi ne, %convert_element_type3A_282, %cond3A_283 : i32
      scf.if %cond3A_284 {
        %dma_wait3A_285 = arith.constant 0 : i32
        %dma_wait3A_286 = tpu.memref_slice %arg6[%sub3A_276, %dma_wait3A_285] : memref<50x128xi32, #tpu.memory_space<vmem>> -> memref<1x128xi32, #tpu.memory_space<vmem>>
        %dma_wait3A_287 = tpu.memref_squeeze %dma_wait3A_286 : memref<1x128xi32, #tpu.memory_space<vmem>> -> memref<128xi32, #tpu.memory_space<vmem>>
        %dma_wait3A_288 = arith.constant 0 : i32
        %dma_wait3A_289 = arith.constant 0 : i32
        %dma_wait3A_290 = tpu.memref_slice %arg3[%dma_wait3A_288, %dma_wait3A_289] : memref<200000x64xf32, #tpu.memory_space<hbm>> -> memref<200000x64xf32, #tpu.memory_space<hbm>>
        tpu.wait_indirect_dma semaphore(%arg18 : memref<!tpu.dma_semaphore, #tpu.memory_space<semaphore_mem>>) src(%dma_wait3A_290 : memref<200000x64xf32, #tpu.memory_space<hbm>>) dst(%arg12 : memref<128x64xf32, #tpu.memory_space<vmem>>)
        %dma_start3A = arith.constant 0 : i32
        %dma_start3A_291 = tpu.memref_slice %arg7[%sub3A_276, %dma_start3A] : memref<50x128xi32, #tpu.memory_space<vmem>> -> memref<1x128xi32, #tpu.memory_space<vmem>>
        %dma_start3A_292 = tpu.memref_squeeze %dma_start3A_291 : memref<1x128xi32, #tpu.memory_space<vmem>> -> memref<128xi32, #tpu.memory_space<vmem>>
        %dma_start3A_293 = arith.constant 0 : i32
        %dma_start3A_294 = arith.constant 0 : i32
        %dma_start3A_295 = tpu.memref_slice %arg5[%dma_start3A_293, %dma_start3A_294] : memref<409600x64xf32, #tpu.memory_space<hbm>> -> memref<409600x64xf32, #tpu.memory_space<hbm>>
        tpu.enqueue_indirect_dma source(%arg12 : memref<128x64xf32, #tpu.memory_space<vmem>>) target(%dma_start3A_295 : memref<409600x64xf32, #tpu.memory_space<hbm>>) offsets(%dma_start3A_292 : memref<128xi32, #tpu.memory_space<vmem>>) semaphore(%arg24 : memref<!tpu.dma_semaphore, #tpu.memory_space<semaphore_mem>>)
        %mul3A_296 = arith.constant 128 : i32
        %mul3A_297 = arith.muli %sub3A_276, %mul3A_296 : i32
        %rem3A_298 = arith.constant 50 : i32
        %rem3A_299 = arith.remsi %mul3A_297, %rem3A_298 : i32
        %dma_start3A_300 = arith.constant 0 : i32
        %dma_start3A_301 = tpu.memref_slice %arg9[%rem3A_299, %dma_start3A_300] : memref<178x64xf32, #tpu.memory_space<vmem>> -> memref<128x64xf32, #tpu.memory_space<vmem>>
        %dma_start3A_302 = arith.constant 0 : i32
        %dma_start3A_303 = tpu.memref_slice %arg8[%sub3A_276, %dma_start3A_302] : memref<50x128xi32, #tpu.memory_space<vmem>> -> memref<1x128xi32, #tpu.memory_space<vmem>>
        %dma_start3A_304 = tpu.memref_squeeze %dma_start3A_303 : memref<1x128xi32, #tpu.memory_space<vmem>> -> memref<128xi32, #tpu.memory_space<vmem>>
        %dma_start3A_305 = arith.constant 0 : i32
        %dma_start3A_306 = arith.constant 0 : i32
        %dma_start3A_307 = tpu.memref_slice %arg5[%dma_start3A_305, %dma_start3A_306] : memref<409600x64xf32, #tpu.memory_space<hbm>> -> memref<409600x64xf32, #tpu.memory_space<hbm>>
        tpu.enqueue_indirect_dma source(%dma_start3A_301 : memref<128x64xf32, #tpu.memory_space<vmem>>) target(%dma_start3A_307 : memref<409600x64xf32, #tpu.memory_space<hbm>>) offsets(%dma_start3A_304 : memref<128xi32, #tpu.memory_space<vmem>>) semaphore(%arg30 : memref<!tpu.dma_semaphore, #tpu.memory_space<semaphore_mem>>)
      } else {
      }
    }
    %scan3A_15 = arith.constant 9 : i32
    %dma_wait3A = arith.constant 44 : i32
    %dma_wait3A_16 = arith.constant 0 : i32
    %dma_wait3A_17 = tpu.memref_slice %arg7[%dma_wait3A, %dma_wait3A_16] : memref<50x128xi32, #tpu.memory_space<vmem>> -> memref<1x128xi32, #tpu.memory_space<vmem>>
    %dma_wait3A_18 = tpu.memref_squeeze %dma_wait3A_17 : memref<1x128xi32, #tpu.memory_space<vmem>> -> memref<128xi32, #tpu.memory_space<vmem>>
    %dma_wait3A_19 = arith.constant 0 : i32
    %dma_wait3A_20 = arith.constant 0 : i32
    %dma_wait3A_21 = tpu.memref_slice %arg5[%dma_wait3A_19, %dma_wait3A_20] : memref<409600x64xf32, #tpu.memory_space<hbm>> -> memref<409600x64xf32, #tpu.memory_space<hbm>>
    tpu.wait_indirect_dma semaphore(%arg24 : memref<!tpu.dma_semaphore, #tpu.memory_space<semaphore_mem>>) src(%arg12 : memref<128x64xf32, #tpu.memory_space<vmem>>) dst(%dma_wait3A_21 : memref<409600x64xf32, #tpu.memory_space<hbm>>)
    %rem3A = arith.constant 5632 : i32
    %rem3A_22 = arith.constant 50 : i32
    %rem3A_23 = arith.remsi %rem3A, %rem3A_22 : i32
    %dma_wait3A_24 = arith.constant 44 : i32
    %dma_wait3A_25 = arith.constant 0 : i32
    %dma_wait3A_26 = tpu.memref_slice %arg9[%rem3A_23, %dma_wait3A_25] : memref<178x64xf32, #tpu.memory_space<vmem>> -> memref<128x64xf32, #tpu.memory_space<vmem>>
    %dma_wait3A_27 = arith.constant 0 : i32
    %dma_wait3A_28 = tpu.memref_slice %arg8[%dma_wait3A_24, %dma_wait3A_27] : memref<50x128xi32, #tpu.memory_space<vmem>> -> memref<1x128xi32, #tpu.memory_space<vmem>>
    %dma_wait3A_29 = tpu.memref_squeeze %dma_wait3A_28 : memref<1x128xi32, #tpu.memory_space<vmem>> -> memref<128xi32, #tpu.memory_space<vmem>>
    %dma_wait3A_30 = arith.constant 0 : i32
    %dma_wait3A_31 = arith.constant 0 : i32
    %dma_wait3A_32 = tpu.memref_slice %arg5[%dma_wait3A_30, %dma_wait3A_31] : memref<409600x64xf32, #tpu.memory_space<hbm>> -> memref<409600x64xf32, #tpu.memory_space<hbm>>
    tpu.wait_indirect_dma semaphore(%arg30 : memref<!tpu.dma_semaphore, #tpu.memory_space<semaphore_mem>>) src(%dma_wait3A_26 : memref<128x64xf32, #tpu.memory_space<vmem>>) dst(%dma_wait3A_32 : memref<409600x64xf32, #tpu.memory_space<hbm>>)
    %dma_wait3A_33 = arith.constant 45 : i32
    %dma_wait3A_34 = arith.constant 0 : i32
    %dma_wait3A_35 = tpu.memref_slice %arg7[%dma_wait3A_33, %dma_wait3A_34] : memref<50x128xi32, #tpu.memory_space<vmem>> -> memref<1x128xi32, #tpu.memory_space<vmem>>
    %dma_wait3A_36 = tpu.memref_squeeze %dma_wait3A_35 : memref<1x128xi32, #tpu.memory_space<vmem>> -> memref<128xi32, #tpu.memory_space<vmem>>
    %dma_wait3A_37 = arith.constant 0 : i32
    %dma_wait3A_38 = arith.constant 0 : i32
    %dma_wait3A_39 = tpu.memref_slice %arg5[%dma_wait3A_37, %dma_wait3A_38] : memref<409600x64xf32, #tpu.memory_space<hbm>> -> memref<409600x64xf32, #tpu.memory_space<hbm>>
    tpu.wait_indirect_dma semaphore(%arg25 : memref<!tpu.dma_semaphore, #tpu.memory_space<semaphore_mem>>) src(%arg13 : memref<128x64xf32, #tpu.memory_space<vmem>>) dst(%dma_wait3A_39 : memref<409600x64xf32, #tpu.memory_space<hbm>>)
    %rem3A_40 = arith.constant 5760 : i32
    %rem3A_41 = arith.constant 50 : i32
    %rem3A_42 = arith.remsi %rem3A_40, %rem3A_41 : i32
    %dma_wait3A_43 = arith.constant 45 : i32
    %dma_wait3A_44 = arith.constant 0 : i32
    %dma_wait3A_45 = tpu.memref_slice %arg9[%rem3A_42, %dma_wait3A_44] : memref<178x64xf32, #tpu.memory_space<vmem>> -> memref<128x64xf32, #tpu.memory_space<vmem>>
    %dma_wait3A_46 = arith.constant 0 : i32
    %dma_wait3A_47 = tpu.memref_slice %arg8[%dma_wait3A_43, %dma_wait3A_46] : memref<50x128xi32, #tpu.memory_space<vmem>> -> memref<1x128xi32, #tpu.memory_space<vmem>>
    %dma_wait3A_48 = tpu.memref_squeeze %dma_wait3A_47 : memref<1x128xi32, #tpu.memory_space<vmem>> -> memref<128xi32, #tpu.memory_space<vmem>>
    %dma_wait3A_49 = arith.constant 0 : i32
    %dma_wait3A_50 = arith.constant 0 : i32
    %dma_wait3A_51 = tpu.memref_slice %arg5[%dma_wait3A_49, %dma_wait3A_50] : memref<409600x64xf32, #tpu.memory_space<hbm>> -> memref<409600x64xf32, #tpu.memory_space<hbm>>
    tpu.wait_indirect_dma semaphore(%arg31 : memref<!tpu.dma_semaphore, #tpu.memory_space<semaphore_mem>>) src(%dma_wait3A_45 : memref<128x64xf32, #tpu.memory_space<vmem>>) dst(%dma_wait3A_51 : memref<409600x64xf32, #tpu.memory_space<hbm>>)
    %dma_wait3A_52 = arith.constant 46 : i32
    %dma_wait3A_53 = arith.constant 0 : i32
    %dma_wait3A_54 = tpu.memref_slice %arg7[%dma_wait3A_52, %dma_wait3A_53] : memref<50x128xi32, #tpu.memory_space<vmem>> -> memref<1x128xi32, #tpu.memory_space<vmem>>
    %dma_wait3A_55 = tpu.memref_squeeze %dma_wait3A_54 : memref<1x128xi32, #tpu.memory_space<vmem>> -> memref<128xi32, #tpu.memory_space<vmem>>
    %dma_wait3A_56 = arith.constant 0 : i32
    %dma_wait3A_57 = arith.constant 0 : i32
    %dma_wait3A_58 = tpu.memref_slice %arg5[%dma_wait3A_56, %dma_wait3A_57] : memref<409600x64xf32, #tpu.memory_space<hbm>> -> memref<409600x64xf32, #tpu.memory_space<hbm>>
    tpu.wait_indirect_dma semaphore(%arg26 : memref<!tpu.dma_semaphore, #tpu.memory_space<semaphore_mem>>) src(%arg14 : memref<128x64xf32, #tpu.memory_space<vmem>>) dst(%dma_wait3A_58 : memref<409600x64xf32, #tpu.memory_space<hbm>>)
    %rem3A_59 = arith.constant 5888 : i32
    %rem3A_60 = arith.constant 50 : i32
    %rem3A_61 = arith.remsi %rem3A_59, %rem3A_60 : i32
    %dma_wait3A_62 = arith.constant 46 : i32
    %dma_wait3A_63 = arith.constant 0 : i32
    %dma_wait3A_64 = tpu.memref_slice %arg9[%rem3A_61, %dma_wait3A_63] : memref<178x64xf32, #tpu.memory_space<vmem>> -> memref<128x64xf32, #tpu.memory_space<vmem>>
    %dma_wait3A_65 = arith.constant 0 : i32
    %dma_wait3A_66 = tpu.memref_slice %arg8[%dma_wait3A_62, %dma_wait3A_65] : memref<50x128xi32, #tpu.memory_space<vmem>> -> memref<1x128xi32, #tpu.memory_space<vmem>>
    %dma_wait3A_67 = tpu.memref_squeeze %dma_wait3A_66 : memref<1x128xi32, #tpu.memory_space<vmem>> -> memref<128xi32, #tpu.memory_space<vmem>>
    %dma_wait3A_68 = arith.constant 0 : i32
    %dma_wait3A_69 = arith.constant 0 : i32
    %dma_wait3A_70 = tpu.memref_slice %arg5[%dma_wait3A_68, %dma_wait3A_69] : memref<409600x64xf32, #tpu.memory_space<hbm>> -> memref<409600x64xf32, #tpu.memory_space<hbm>>
    tpu.wait_indirect_dma semaphore(%arg32 : memref<!tpu.dma_semaphore, #tpu.memory_space<semaphore_mem>>) src(%dma_wait3A_64 : memref<128x64xf32, #tpu.memory_space<vmem>>) dst(%dma_wait3A_70 : memref<409600x64xf32, #tpu.memory_space<hbm>>)
    %dma_wait3A_71 = arith.constant 47 : i32
    %dma_wait3A_72 = arith.constant 0 : i32
    %dma_wait3A_73 = tpu.memref_slice %arg7[%dma_wait3A_71, %dma_wait3A_72] : memref<50x128xi32, #tpu.memory_space<vmem>> -> memref<1x128xi32, #tpu.memory_space<vmem>>
    %dma_wait3A_74 = tpu.memref_squeeze %dma_wait3A_73 : memref<1x128xi32, #tpu.memory_space<vmem>> -> memref<128xi32, #tpu.memory_space<vmem>>
    %dma_wait3A_75 = arith.constant 0 : i32
    %dma_wait3A_76 = arith.constant 0 : i32
    %dma_wait3A_77 = tpu.memref_slice %arg5[%dma_wait3A_75, %dma_wait3A_76] : memref<409600x64xf32, #tpu.memory_space<hbm>> -> memref<409600x64xf32, #tpu.memory_space<hbm>>
    tpu.wait_indirect_dma semaphore(%arg27 : memref<!tpu.dma_semaphore, #tpu.memory_space<semaphore_mem>>) src(%arg15 : memref<128x64xf32, #tpu.memory_space<vmem>>) dst(%dma_wait3A_77 : memref<409600x64xf32, #tpu.memory_space<hbm>>)
    %rem3A_78 = arith.constant 6016 : i32
    %rem3A_79 = arith.constant 50 : i32
    %rem3A_80 = arith.remsi %rem3A_78, %rem3A_79 : i32
    %dma_wait3A_81 = arith.constant 47 : i32
    %dma_wait3A_82 = arith.constant 0 : i32
    %dma_wait3A_83 = tpu.memref_slice %arg9[%rem3A_80, %dma_wait3A_82] : memref<178x64xf32, #tpu.memory_space<vmem>> -> memref<128x64xf32, #tpu.memory_space<vmem>>
    %dma_wait3A_84 = arith.constant 0 : i32
    %dma_wait3A_85 = tpu.memref_slice %arg8[%dma_wait3A_81, %dma_wait3A_84] : memref<50x128xi32, #tpu.memory_space<vmem>> -> memref<1x128xi32, #tpu.memory_space<vmem>>
    %dma_wait3A_86 = tpu.memref_squeeze %dma_wait3A_85 : memref<1x128xi32, #tpu.memory_space<vmem>> -> memref<128xi32, #tpu.memory_space<vmem>>
    %dma_wait3A_87 = arith.constant 0 : i32
    %dma_wait3A_88 = arith.constant 0 : i32
    %dma_wait3A_89 = tpu.memref_slice %arg5[%dma_wait3A_87, %dma_wait3A_88] : memref<409600x64xf32, #tpu.memory_space<hbm>> -> memref<409600x64xf32, #tpu.memory_space<hbm>>
    tpu.wait_indirect_dma semaphore(%arg33 : memref<!tpu.dma_semaphore, #tpu.memory_space<semaphore_mem>>) src(%dma_wait3A_83 : memref<128x64xf32, #tpu.memory_space<vmem>>) dst(%dma_wait3A_89 : memref<409600x64xf32, #tpu.memory_space<hbm>>)
    %dma_wait3A_90 = arith.constant 48 : i32
    %dma_wait3A_91 = arith.constant 0 : i32
    %dma_wait3A_92 = tpu.memref_slice %arg7[%dma_wait3A_90, %dma_wait3A_91] : memref<50x128xi32, #tpu.memory_space<vmem>> -> memref<1x128xi32, #tpu.memory_space<vmem>>
    %dma_wait3A_93 = tpu.memref_squeeze %dma_wait3A_92 : memref<1x128xi32, #tpu.memory_space<vmem>> -> memref<128xi32, #tpu.memory_space<vmem>>
    %dma_wait3A_94 = arith.constant 0 : i32
    %dma_wait3A_95 = arith.constant 0 : i32
    %dma_wait3A_96 = tpu.memref_slice %arg5[%dma_wait3A_94, %dma_wait3A_95] : memref<409600x64xf32, #tpu.memory_space<hbm>> -> memref<409600x64xf32, #tpu.memory_space<hbm>>
    tpu.wait_indirect_dma semaphore(%arg22 : memref<!tpu.dma_semaphore, #tpu.memory_space<semaphore_mem>>) src(%arg10 : memref<128x64xf32, #tpu.memory_space<vmem>>) dst(%dma_wait3A_96 : memref<409600x64xf32, #tpu.memory_space<hbm>>)
    %rem3A_97 = arith.constant 6144 : i32
    %rem3A_98 = arith.constant 50 : i32
    %rem3A_99 = arith.remsi %rem3A_97, %rem3A_98 : i32
    %dma_wait3A_100 = arith.constant 48 : i32
    %dma_wait3A_101 = arith.constant 0 : i32
    %dma_wait3A_102 = tpu.memref_slice %arg9[%rem3A_99, %dma_wait3A_101] : memref<178x64xf32, #tpu.memory_space<vmem>> -> memref<128x64xf32, #tpu.memory_space<vmem>>
    %dma_wait3A_103 = arith.constant 0 : i32
    %dma_wait3A_104 = tpu.memref_slice %arg8[%dma_wait3A_100, %dma_wait3A_103] : memref<50x128xi32, #tpu.memory_space<vmem>> -> memref<1x128xi32, #tpu.memory_space<vmem>>
    %dma_wait3A_105 = tpu.memref_squeeze %dma_wait3A_104 : memref<1x128xi32, #tpu.memory_space<vmem>> -> memref<128xi32, #tpu.memory_space<vmem>>
    %dma_wait3A_106 = arith.constant 0 : i32
    %dma_wait3A_107 = arith.constant 0 : i32
    %dma_wait3A_108 = tpu.memref_slice %arg5[%dma_wait3A_106, %dma_wait3A_107] : memref<409600x64xf32, #tpu.memory_space<hbm>> -> memref<409600x64xf32, #tpu.memory_space<hbm>>
    tpu.wait_indirect_dma semaphore(%arg28 : memref<!tpu.dma_semaphore, #tpu.memory_space<semaphore_mem>>) src(%dma_wait3A_102 : memref<128x64xf32, #tpu.memory_space<vmem>>) dst(%dma_wait3A_108 : memref<409600x64xf32, #tpu.memory_space<hbm>>)
    %dma_wait3A_109 = arith.constant 49 : i32
    %dma_wait3A_110 = arith.constant 0 : i32
    %dma_wait3A_111 = tpu.memref_slice %arg7[%dma_wait3A_109, %dma_wait3A_110] : memref<50x128xi32, #tpu.memory_space<vmem>> -> memref<1x128xi32, #tpu.memory_space<vmem>>
    %dma_wait3A_112 = tpu.memref_squeeze %dma_wait3A_111 : memref<1x128xi32, #tpu.memory_space<vmem>> -> memref<128xi32, #tpu.memory_space<vmem>>
    %dma_wait3A_113 = arith.constant 0 : i32
    %dma_wait3A_114 = arith.constant 0 : i32
    %dma_wait3A_115 = tpu.memref_slice %arg5[%dma_wait3A_113, %dma_wait3A_114] : memref<409600x64xf32, #tpu.memory_space<hbm>> -> memref<409600x64xf32, #tpu.memory_space<hbm>>
    tpu.wait_indirect_dma semaphore(%arg23 : memref<!tpu.dma_semaphore, #tpu.memory_space<semaphore_mem>>) src(%arg11 : memref<128x64xf32, #tpu.memory_space<vmem>>) dst(%dma_wait3A_115 : memref<409600x64xf32, #tpu.memory_space<hbm>>)
    %rem3A_116 = arith.constant 6272 : i32
    %rem3A_117 = arith.constant 50 : i32
    %rem3A_118 = arith.remsi %rem3A_116, %rem3A_117 : i32
    %dma_wait3A_119 = arith.constant 49 : i32
    %dma_wait3A_120 = arith.constant 0 : i32
    %dma_wait3A_121 = tpu.memref_slice %arg9[%rem3A_118, %dma_wait3A_120] : memref<178x64xf32, #tpu.memory_space<vmem>> -> memref<128x64xf32, #tpu.memory_space<vmem>>
    %dma_wait3A_122 = arith.constant 0 : i32
    %dma_wait3A_123 = tpu.memref_slice %arg8[%dma_wait3A_119, %dma_wait3A_122] : memref<50x128xi32, #tpu.memory_space<vmem>> -> memref<1x128xi32, #tpu.memory_space<vmem>>
    %dma_wait3A_124 = tpu.memref_squeeze %dma_wait3A_123 : memref<1x128xi32, #tpu.memory_space<vmem>> -> memref<128xi32, #tpu.memory_space<vmem>>
    %dma_wait3A_125 = arith.constant 0 : i32
    %dma_wait3A_126 = arith.constant 0 : i32
    %dma_wait3A_127 = tpu.memref_slice %arg5[%dma_wait3A_125, %dma_wait3A_126] : memref<409600x64xf32, #tpu.memory_space<hbm>> -> memref<409600x64xf32, #tpu.memory_space<hbm>>
    tpu.wait_indirect_dma semaphore(%arg29 : memref<!tpu.dma_semaphore, #tpu.memory_space<semaphore_mem>>) src(%dma_wait3A_121 : memref<128x64xf32, #tpu.memory_space<vmem>>) dst(%dma_wait3A_127 : memref<409600x64xf32, #tpu.memory_space<hbm>>)
    return
  }
}

</mosaic_0001>

<sc_bundles>
// kernel: kernel.3.cloned.1.call-start
scs
__scs_entry_jumppad:
0x0: {  	(pc) =	sbr.rel $0x88, $3  }
0x1: {  	(tag) =	ssettag $0x0;
	lr =	simm.s32 $0x1  }
0x2: {  	[smem:$0x3F9E] =	sst lr;
	_ =	strace $0xD0000000  }
0x3: {  	_ = 	snop  }
0x4: {  	_ = 	snop  }
0x5: {  	_ = 	snop  }
0x6: {  	_ = 	snop  }
0x7: {  	_ = 	snop  }
__scs_overlays_trampoline_lowered:
0x8: {  	[smem:$0x3FAD] =	sst s0  }
0x9: {  	[smem:$0x3FAE] =	sst s1  }
0xa: {  	[smem:$0x3FAF] =	sst s2  }
0xb: {  	[smem:$0x3FB0] =	sst s3  }
0xc: {  	[smem:$0x3FB1] =	sst s4  }
0xd: {  	[smem:$0x3FB2] =	sst s5  }
0xe: {  	[smem:$0x3FB3] =	sst s6  }
0xf: {  	[smem:$0x3FB4] =	sst s7  }
0x10: {  	[smem:$0x3FB5] =	sst s8  }
0x11: {  	[smem:$0x3FB6] =	sst s9;
	s0 =	simm.s32 @!p0 $0x0  }
0x12: {  	s1 =	sld [smem:$0x3F9C];
	s0 =	simm.s32 @p0 $0x1  }
0x13: {  	[smem:$0x3FB7] =	sst s0;
	s0 =	simm.s32 @!p1 $0x0  }
0x14: {  	s2 =	sld [smem:$0x3F9B];
	s0 =	simm.s32 @p1 $0x1  }
0x15: {  	[smem:$0x3FB8] =	sst s0;
	s0 =	simm.s32 @!p2 $0x0  }
0x16: {  	s3 =	sld [smem:$0x3FDB];
	s0 =	simm.s32 @p2 $0x1  }
0x17: {  	s4 =	simm.s32 $0x1BF5;
	[smem:$0x3FBA] =	sst s0  }
0x18: {  	s0 =	sld [smem:$0x3F9D];
	_ =	swait.ge [sflag:s4], $0x0  }
0x19: {  	s7 =	sld [smem:$0x3F9E]  }
0x1a: {  	s8 =	sadd.s32 $0xFFFFE003, lr  }
0x1b: {  	s9 =	sadd.s32 $0xFFFFFEF7, lr;
	s5 =	simm.s32 $0xFFFFFFFF;
	p2 =	slt.u32 s8, $0xFFFFF086  }
0x1c: {  	p1 =	slt.u32 s9, $0xF7A;
	s5 =	simm.s32 @!p2 $0x0  }
0x1d: {  	s5 =	simm.s32 @p1 $0x1;
	p0 =	seq.s32 s7, s2  }
0x1e: {  	s7 =	smul.u32 @!p0 $0xF7A, s2;
	p2 =	seq.s32 @!p0 s5, $0x0  }
0x1f: {  	s9 =	smul.u32 $0xF7A, s1;
	s8 =	simm.s32 @!p0 $0x1BF5;
	p2 =	por !p2, p0  }
0x20: {  	[sflag:s8] =	ssyncset.s32 @!p0 $0xFFFFF086;
	s6 =	sadd.s32 @!p0 s3, s7;
	s7 =	simm.s32 @!p0 $0x108  }
0x21: {  	s3 =	sadd.s32 s3, s9;
	s6 =	sadd.s32 @!p0 $0x88, s6;
	s7 =	simm.s32 @p2 $0x1082  }
0x22: {  	[simem:s7], [sflag:s8] =	dma.local @!p0 [hbm:s6], $0xF7A  }
0x23: {  	s9 =	sor.u32 $0xD0000000, s2;
	s6 =	simm.s32 $0x108;
	_ =	swait.ge @!p0 [sflag:s8], $0x0  }
0x24: {  	s3 =	sadd.s32 $0x88, s3;
	s6 =	simm.s32 @!p1 $0x1082;
	[sflag:s4] =	ssyncset.s32 $0xFFFFF086  }
0x25: {  	[simem:s6], [sflag:s4] =	dma.local [hbm:s3], $0xF7A  }
0x26: {  	[smem:$0x3F9E] =	sst s1;
	(tag) =	ssettag s2;
	_ =	strace s9  }
0x27: {  	s1 =	sld [smem:$0x3FAE]  }
0x28: {  	s2 =	sld [smem:$0x3FAF]  }
0x29: {  	s4 =	sld [smem:$0x3FB1]  }
0x2a: {  	p0 =	seq.s32 s5, $0x0;
	s5 =	sld [smem:$0x3FB2]  }
0x2b: {  	s6 =	sld [smem:$0x3FB3]  }
0x2c: {  	s7 =	sld [smem:$0x3FB4]  }
0x2d: {  	s3 =	simm.s32 $0x108;
	s8 =	sld [smem:$0x3FB5]  }
0x2e: {  	s3 =	simm.s32 @!p0 $0x1082;
	s9 =	sld [smem:$0x3FB6]  }
0x2f: {  	lr =	sadd.s32 s0, s3;
	s0 =	sld [smem:$0x3FAD]  }
0x30: {  	s3 =	sld [smem:$0x3FB0]  }
0x31: {  	[smem:$0x3FB9] =	sst s10  }
0x32: {  	s10 =	sld [smem:$0x3FB7];
	_ =	sdelay $0x3  }
0x33: {  	p0 =	seq.s32 s10, $0x1;
	s10 =	sld [smem:$0x3FB9];
	_ =	sdelay $0x3  }
0x34: {  	[smem:$0x3FB9] =	sst s10  }
0x35: {  	s10 =	sld [smem:$0x3FB8];
	_ =	sdelay $0x3  }
0x36: {  	p1 =	seq.s32 s10, $0x1;
	s10 =	sld [smem:$0x3FB9];
	_ =	sdelay $0x3  }
0x37: {  	[smem:$0x3FB9] =	sst s10  }
0x38: {  	s10 =	sld [smem:$0x3FBA]  }
0x39: {  	_ = 	snop;
	(pc) =	sbr.ind lr, $3  }
0x3a: {  	_ = 	snop  }
0x3b: {  	_ = 	snop  }
0x3c: {  	p2 =	seq.s32 s10, $0x1;
	s10 =	sld [smem:$0x3FB9]  }
0x3d: {  	_ =	shalt  }
0x3e: {  	_ =	shalt  }
0x3f: {  	_ =	shalt  }
0x40: {  	_ =	shalt  }
0x41: {  	_ =	shalt  }
0x42: {  	_ =	shalt  }
0x43: {  	_ =	shalt  }
0x44: {  	_ =	shalt  }
0x45: {  	_ =	shalt  }
0x46: {  	_ =	shalt  }
0x47: {  	_ =	shalt  }
0x48: {  	_ =	shalt  }
0x49: {  	_ =	shalt  }
0x4a: {  	_ =	shalt  }
0x4b: {  	_ =	shalt  }
0x4c: {  	_ =	shalt  }
0x4d: {  	_ =	shalt  }
0x4e: {  	_ =	shalt  }
0x4f: {  	_ =	shalt  }
0x50: {  	_ =	shalt  }
0x51: {  	_ =	shalt  }
0x52: {  	_ =	shalt  }
0x53: {  	_ =	shalt  }
0x54: {  	_ =	shalt  }
0x55: {  	_ =	shalt  }
0x56: {  	_ =	shalt  }
0x57: {  	_ =	shalt  }
0x58: {  	_ =	shalt  }
0x59: {  	_ =	shalt  }
0x5a: {  	_ =	shalt  }
0x5b: {  	_ =	shalt  }
0x5c: {  	_ =	shalt  }
0x5d: {  	_ =	shalt  }
0x5e: {  	_ =	shalt  }
0x5f: {  	_ =	shalt  }
0x60: {  	_ =	shalt  }
0x61: {  	_ =	shalt  }
0x62: {  	_ =	shalt  }
0x63: {  	_ =	shalt  }
0x64: {  	_ =	shalt  }
0x65: {  	_ =	shalt  }
0x66: {  	_ =	shalt  }
0x67: {  	_ =	shalt  }
0x68: {  	_ =	shalt  }
0x69: {  	_ =	shalt  }
0x6a: {  	_ =	shalt  }
0x6b: {  	_ =	shalt  }
0x6c: {  	_ =	shalt  }
0x6d: {  	_ =	shalt  }
0x6e: {  	_ =	shalt  }
0x6f: {  	_ =	shalt  }
0x70: {  	_ =	shalt  }
0x71: {  	_ =	shalt  }
0x72: {  	_ =	shalt  }
0x73: {  	_ =	shalt  }
0x74: {  	_ =	shalt  }
0x75: {  	_ =	shalt  }
0x76: {  	_ =	shalt  }
0x77: {  	_ =	shalt  }
0x78: {  	_ =	shalt  }
0x79: {  	_ =	shalt  }
0x7a: {  	_ =	shalt  }
0x7b: {  	_ =	shalt  }
0x7c: {  	_ =	shalt  }
0x7d: {  	_ =	shalt  }
0x7e: {  	_ =	shalt  }
0x7f: {  	_ =	shalt  }
0x80: {  	_ =	shalt  }
0x81: {  	_ =	shalt  }
0x82: {  	_ =	shalt  }
0x83: {  	_ =	shalt  }
0x84: {  	_ =	shalt  }
0x85: {  	_ =	shalt  }
0x86: {  	_ =	shalt  }
0x87: {  	_ =	shalt  }
.Lfunc_end0:
.L_simem_size_0:
called_computation_lowered:
.L_overlay_start_0:
0x88: {  	s2 =	sld [smem:$0x3FD9]  }
0x89: {  	s3 =	sld [smem:$0x3FFE];
	_ =	sdelay $0x1  }
0x8a: {  	s1 =	srdreg.scid  }
0x8b: {  	s0 =	sand.u32 $0x1, s1  }
0x8c: {  	s17 =	sshll.u32 s0, $0xA;
	s2 =	sadd.s32 s3, s2  }
0x8d: {  	s2 =	sadd.s32 s2, s17  }
0x8e: {  	[smem:$0x3FC5] =	sst s2  }
0x8f: {  	_ = 	snop  }
0x90: {  	s2 =	sld [smem:$0x3FD0];
	(tm) =	ssettm $0x1  }
0x91: {  	s18 =	sld [smem:$0x3FFB];
	_ =	sdelay $0x3  }
0x92: {  	_ =	strace s18  }
0x93: {  	s3 =	sld [smem:$0x3FFC];
	_ =	sdelay $0x3  }
0x94: {  	_ =	strace s3  }
0x95: {  	s3 =	sld [smem:$0x3FFD];
	_ =	sdelay $0x3  }
0x96: {  	_ =	strace s3  }
0x97: {  	_ =	strace $0x8FFFFFFF  }
0x98: {  	s19 =	sld [smem:$0x3FDB];
	_ =	sdelay $0x1  }
0x99: {  	s4 =	simm.s32 $_scs_section_size  }
0x9a: {  	s5 =	simm.s32 $_size__tile_overlayer_lowered;
	s6 =	simm.s32 $_tile_overlayer_lowered  }
0x9b: {  	s22 =	simm.s32 $0x1BFF;
	s21 =	sshll.u32 s6, $0x1;
	s3 =	sadd.s32 s4, s19  }
0x9c: {  	s7 =	simm.s32 $0x0;
	s20 =	sshll.u32 s5, $0x1;
	s5 =	sadd.s32 s21, s3  }
0x9d: {  	[timem:s7], [sflag:s22] =	dma.local [hbm:s5], s20  }
0x9e: {  	_ =	swait.ge [sflag:s22], s20  }
0x9f: {  	s4 =	ssub.s32 $0x0, s20;
	[sflag:s22] =	ssyncset.done $0x0  }
0xa0: {  	[sflag:s22] =	ssyncadd.s32 s4;
	_ =	sdelay $0x1  }
0xa1: {  	s23 =	simm.s32 $0x1B8B  }
0xa2: {  	_ =	swait.ge [sflag:s23], $0x1  }
0xa3: {  	[sflag:s23] =	ssyncset.done $0x0  }
0xa4: {  	s25 =	simm.s32 $0x1B8E;
	s24 =	sld [smem:$0x3FFE];
	[sflag:s23] =	ssyncadd.s32 $0xFFFFFFFF  }
0xa5: {  	s26 =	simm.s32 $execute0_lowered;
	[smem:$0x3FD2] =	sst s25  }
0xa6: {  	s5 =	sshll.u32 s26, $0x1;
	_ =	strace $0x80000046;
	[dreg:$0x1] =	wrdreg $0xFFFFFFFF  }
0xa7: {  	s28 =	simm.s32 $_size_execute0_lowered;
	s3 =	sadd.s32 s3, s5;
	[dreg:$0x0] =	wrdreg $0x0  }
0xa8: {  	s5 =	sshll.u32 s28, $0x1;
	[dreg:$0x2] =	wrdreg s3  }
0xa9: {  	[dreg:$0x3] =	wrdreg s5  }
0xaa: {  	[dreg:$0x4] =	wrdreg $0xC0  }
0xab: {  	_ =	task [dreg:s7], $0x5FFFF  }
0xac: {  	[dreg:$0x1] =	wrdreg $0xFFFFFFFF  }
0xad: {  	[dreg:$0x0] =	wrdreg $0x60  }
0xae: {  	[dreg:$0x2] =	wrdreg s24  }
0xaf: {  	[dreg:$0x3] =	wrdreg s2  }
0xb0: {  	[dreg:$0x4] =	wrdreg $0x9  }
0xb1: {  	_ =	task.clear_ibuf [dreg:s7], $0x5FFFF;
	_ =	strace $0x90000046  }
0xb2: {  	s29 =	simm.s32 $0x9;
	_ =	strace $0x80000048  }
0xb3: {  	_ =	swait.ge [sflag:s29], $0x1  }
0xb4: {  	[sflag:s29] =	ssyncadd.s32 $0xFFFFFFFF  }
0xb5: {  	_ =	strace $0x90000048  }
0xb6: {  	_ =	sfence  }
0xb7: {  	s30 =	sld [smem:$0x0];
	_ =	sdelay $0x2  }
0xb8: {  	s31 =	sshll.u32 s1, $0xD;
	s1 =	sshrl.u32 s1, $0x2  }
0xb9: {  	s3 =	sand.u32 $0x4000, s31;
	s1 =	sadd.s32 s1, s30  }
0xba: {  	s0 =	sor.u32 s3, s0;
	s1 =	sshll.u32 s1, $0x11  }
0xbb: {  	s0 =	sor.u32 s1, s0  }
0xbc: {  	s0 =	sadd.s32 $0x8F2B, s0  }
0xbd: {  	[sflag:s0] =	ssyncadd.remote.s32 $0x1  }
0xbe: {  	_ =	sfence.sel $0xFFFF  }
0xbf: {  	[dreg:$0x0] =	wrdreg $0xFFFFFFFF;
	(pc) =	sbr.abs _section_cstart, $3  }
0xc0: {  	[dreg:$0x1] =	wrdreg $0xFFFFFFFF  }
0xc1: {  	_ =	task.clear_ibuf [dreg:s7], $0x2FFFF;
	_ =	strace $0x9FFFFFFF  }
0xc2: {  	(tm) =	ssettm $0x7FFFFFFF  }
0xc3: {  	_ =	shalt  }
tec
execute0_lowered:
.L_overlay_start_1:
0x0: {  	(tag) =	ssettag $0x1  }
0x1: {  	s0 =	rddreg [dreg:$0x0];
	s1 =	srdreg.scid  }
0x2: {  	s4 =	stileid.u32;
	s2 =	rddreg [dreg:$0x1];
	s5 =	simm.s32 $0x0  }
0x3: {  	s14 =	simm.s32 $0x7;
	s15 =	simm.s32 $0xD;
	s16 =	simm.s32 $0x80  }
0x4: {  	s17 =	simm.s32 $0x7780;
	s18 =	simm.s32 $0x4;
	s19 =	simm.s32 $0xD780  }
0x5: {  	s20 =	simm.s32 $0x9780;
	s23 =	simm.s32 $0x1;
	s24 =	simm.s32 $0x2  }
0x6: {  	s28 =	simm.s32 $0xA;
	s29 =	simm.s32 $0x10;
	s10 =	simm.s32 $0x8  }
0x7: {  	s11 =	simm.s32 $0xE;
	s12 =	simm.s32 $0xF780;
	s13 =	simm.s32 $0x6  }
0x8: {  	s1 =	sand.u32 $0x1, s1;
	s3 =	sshll.u32 s4, $0x1;
	s6 =	smul.u32 $0x3200, s4  }
0x9: {  	s3 =	sor.u32 s1, s3;
	s30 =	ssub.s32 $0x2, s1;
	s1 =	smul.u32 $0x1900, s1  }
0xa: {  	[smem:$0x7FF] =	sst s5;
	s4 =	sadd.s32 $0x6A00, s0;
	s3 =	smul.u32 $0x320, s3  }
.Ltmp0:
0xb: {  	_ =	strace $0x80000047;
	s7 =	sshrl.u32 s30, $0x1;
	(pc) =	sbr.rel .LBB2_1-.Ltmp0, $4  }
0xc: {  	s31 =	ssub.s32 s30, s7;
	s3 =	sadd.s32 s3, s0;
	s0 =	sadd.s32 $0x400, s0  }
0xd: {  	s8 =	sadd.s32 s1, s6;
	[dreg:$0x3] =	wrdreg s0;
	s3 =	sadd.s32 $0x600, s3  }
0xe: {  	s6 =	simm.s32 $0x11780;
	s0 =	smax.u32 s31, $0x1;
	[dreg:$0x4] =	wrdreg s3  }
0xf: {  	v0 =	vlaneseq.u32;
	s1 =	simm.s32 $0x0;
	[dreg:$0x5] =	wrdreg s0;
	s3 =	simm.s32 $0x5  }
.LBB2_15:
0x10: {  	s0 =	simm.s32 $0x9  }
0x11: {  	_ =	swait.ge [sflag:s0], $0x2000  }
0x12: {  	[sflag:s0] =	ssyncset.done $0x0  }
0x13: {  	s21 =	simm.s32 $0xF;
	[sflag:s0] =	ssyncadd.s32 $0xFFFFE000  }
0x14: {  	_ =	swait.ge [sflag:s21], $0x2000  }
0x15: {  	[sflag:s21] =	ssyncset.done $0x0  }
0x16: {  	[sflag:s21] =	ssyncadd.s32 $0xFFFFE000  }
0x17: {  	_ =	swait.ge [sflag:s28], $0x2000  }
0x18: {  	[sflag:s28] =	ssyncset.done $0x0  }
0x19: {  	[sflag:s28] =	ssyncadd.s32 $0xFFFFE000  }
0x1a: {  	_ =	swait.ge [sflag:s29], $0x2000  }
0x1b: {  	[sflag:s29] =	ssyncset.done $0x0  }
0x1c: {  	s22 =	simm.s32 $0xB;
	[sflag:s29] =	ssyncadd.s32 $0xFFFFE000  }
0x1d: {  	_ =	swait.ge [sflag:s22], $0x2000  }
0x1e: {  	[sflag:s22] =	ssyncset.done $0x0  }
0x1f: {  	s25 =	simm.s32 $0x11;
	[sflag:s22] =	ssyncadd.s32 $0xFFFFE000  }
0x20: {  	_ =	swait.ge [sflag:s25], $0x2000  }
0x21: {  	[sflag:s25] =	ssyncset.done $0x0  }
0x22: {  	s26 =	simm.s32 $0xC;
	[sflag:s25] =	ssyncadd.s32 $0xFFFFE000  }
0x23: {  	_ =	swait.ge [sflag:s26], $0x2000  }
0x24: {  	[sflag:s26] =	ssyncset.done $0x0  }
0x25: {  	s30 =	simm.s32 $0x12;
	[sflag:s26] =	ssyncadd.s32 $0xFFFFE000  }
0x26: {  	_ =	swait.ge [sflag:s30], $0x2000  }
0x27: {  	[sflag:s30] =	ssyncset.done $0x0  }
0x28: {  	[sflag:s30] =	ssyncadd.s32 $0xFFFFE000  }
0x29: {  	_ =	swait.ge [sflag:s14], $0x2000  }
0x2a: {  	[sflag:s14] =	ssyncset.done $0x0  }
0x2b: {  	[sflag:s14] =	ssyncadd.s32 $0xFFFFE000  }
0x2c: {  	_ =	swait.ge [sflag:s15], $0x2000  }
0x2d: {  	[sflag:s15] =	ssyncset.done $0x0  }
0x2e: {  	[sflag:s15] =	ssyncadd.s32 $0xFFFFE000  }
0x2f: {  	_ =	swait.ge [sflag:s10], $0x2000  }
0x30: {  	[sflag:s10] =	ssyncset.done $0x0  }
0x31: {  	[sflag:s10] =	ssyncadd.s32 $0xFFFFE000  }
0x32: {  	_ =	swait.ge [sflag:s11], $0x2000  }
0x33: {  	s1 =	rddreg [dreg:$0x6]  }
0x34: {  	s31 =	rddreg [dreg:$0x5];
	s1 =	sadd.s32 $0x1, s1  }
0x35: {  	p0 =	sne.s32 s1, s31  }
.Ltmp1:
0x36: {  	_ = 	snop;
	(pc) =	sbr.rel @!p0 .LBB2_16-.Ltmp1, $3  }
0x37: {  	_ =	sdelay $0x1  }
0x38: {  	[sflag:s11] =	ssyncset.done $0x0  }
0x39: {  	[sflag:s11] =	ssyncadd.s32 $0xFFFFE000  }
.LBB2_1:
0x3a: {  	s0 =	sadd.s32 $0x0, s8  }
0x3b: {  	v1 =	vmov s0  }
0x3c: {  	s31 =	sadd.s32 $0x10, s0;
	s5 =	sadd.s32 $0x20, s0;
	s7 =	sadd.s32 $0x70, s0;
	v1 =	vbroadcast v1, $0x0  }
0x3d: {  	s9 =	sadd.s32 $0x40, s0;
	s21 =	sadd.s32 $0x60, s0;
	s22 =	sadd.s32 $0x30, s0;
	v2 =	vmov s31;
	v3 =	vmov s5;
	v4 =	vmov s7  }
0x3e: {  	v5 =	vmov s9;
	v6 =	vmov s21;
	v9 =	vmov s22  }
0x3f: {  	s0 =	sadd.s32 $0x50, s0;
	v2 =	vbroadcast v2, $0x0;
	v3 =	vbroadcast v3, $0x0;
	v1 =	vor.u32 v0, v1  }
0x40: {  	v10 =	vmov s0;
	v5 =	vbroadcast v5, $0x0;
	v7 =	vmulhi.u32 $0x51EB851F, v1  }
0x41: {  	v10 =	vbroadcast v10, $0x0;
	v9 =	vbroadcast v9, $0x0;
	v2 =	vor.u32 v0, v2  }
0x42: {  	v4 =	vbroadcast v4, $0x0;
	v8 =	vmulhi.u32 $0x51EB851F, v2;
	v7 =	vshrl.u32 v7, $0x4  }
0x43: {  	v6 =	vbroadcast v6, $0x0;
	v3 =	vor.u32 v0, v3;
	v11 =	vmul.u32 $0xFFFFFFCE, v7  }
0x44: {  	v5 =	vor.u32 v0, v5;
	v10 =	vor.u32 v0, v10;
	v8 =	vshrl.u32 v8, $0x4  }
0x45: {  	v55 =	vmulhi.u32 $0x51EB851F, v3;
	v12 =	vmul.u32 $0xFFFFFFCE, v8;
	v1 =	vadd.s32 v1, v11  }
0x46: {  	v58 =	vmulhi.u32 $0x51EB851F, v5;
	v7 =	vshll.u32 v7, $0x1;
	v1 =	vshll.u32 v1, $0xD  }
0x47: {  	v2 =	vadd.s32 v2, v12;
	v1 =	vadd.s32 v7, v1;
	v7 =	vshrl.u32 v55, $0x4  }
0x48: {  	s25 =	simm.s32 $0x0;
	s26 =	rddreg [dreg:$0x4];
	v8 =	vshll.u32 v8, $0x1;
	v2 =	vshll.u32 v2, $0xD;
	v57 =	vmul.u32 $0xFFFFFFCE, v7  }
0x49: {  	[tilespmem:s25], [sflag:$0x13] =	stream.linear.gather [hbm4b:s26+s25], $0x1900, $0x38;
	v60 =	vmulhi.u32 $0x51EB851F, v10;
	v2 =	vadd.s32 v8, v2;
	v8 =	vor.u32 v0, v9;
	[tilespmem:$0x13780] =	vst v63  }
0x4a: {  	[dreg:$0x6] =	wrdreg s1;
	s31 =	simm.s32 $0x13;
	v15 =	vor.u32 v0, v4;
	v14 =	vmulhi.u32 $0x51EB851F, v8;
	v3 =	vadd.s32 v3, v57  }
0x4b: {  	_ =	swait.ge [sflag:s31], $0x1900;
	v59 =	vshrl.u32 v58, $0x4;
	v7 =	vshll.u32 v7, $0x1;
	v3 =	vshll.u32 v3, $0xD  }
0x4c: {  	[sflag:s31] =	ssyncset.done $0x0;
	v12 =	vmul.u32 $0xFFFFFFCE, v59;
	v3 =	vadd.s32 v7, v3;
	v7 =	vshrl.u32 v14, $0x4  }
0x4d: {  	s26 =	simm.s32 $0x1940;
	[sflag:s31] =	ssyncadd.s32 $0xFFFFE700;
	v4 =	vor.u32 v0, v6;
	v62 =	vshrl.u32 v60, $0x4;
	v61 =	vmul.u32 $0xFFFFFFCE, v7  }
0x4e: {  	s25 =	simm.s32 $0x3240;
	v56 =	vor.u32 $0x1, v1;
	v5 =	vadd.s32 v5, v12;
	[tilespmem:s26+$0xFFFFFFC0] =	vst v1;
	v13 =	vor.u32 $0x1, v2  }
0x4f: {  	[tilespmem:s25+$0xFFFFFFC0] =	vst v56;
	v6 =	vshll.u32 v7, $0x1;
	v7 =	vadd.s32 v8, v61;
	v8 =	vmulhi.u32 $0x51EB851F, v4  }
0x50: {  	v5 =	vshll.u32 v5, $0xD;
	[tilespmem:s26+$0xFFFFFFD0] =	vst v2;
	v2 =	vshll.u32 v59, $0x1;
	v7 =	vshll.u32 v7, $0xD  }
0x51: {  	[tilespmem:s25+$0xFFFFFFD0] =	vst v13;
	v2 =	vadd.s32 v2, v5;
	v6 =	vadd.s32 v6, v7;
	v7 =	vshrl.u32 v8, $0x4  }
0x52: {  	v1 =	vor.u32 $0x1, v3;
	[tilespmem:s26+$0xFFFFFFE0] =	vst v3;
	v8 =	vmulhi.u32 $0x51EB851F, v15;
	v5 =	vmul.u32 $0xFFFFFFCE, v7  }
0x53: {  	v63 =	vor.u32 $0x1, v2;
	v3 =	vshll.u32 v62, $0x1;
	[tilespmem:s25+$0xFFFFFFE0] =	vst v1;
	v1 =	vor.u32 $0x1, v6  }
0x54: {  	[tilespmem:s26+$0xFFFFFFF0] =	vst v6;
	v6 =	vmul.u32 $0xFFFFFFCE, v62;
	v4 =	vadd.s32 v4, v5;
	v5 =	vshrl.u32 v8, $0x4  }
0x55: {  	v7 =	vshll.u32 v7, $0x1;
	[tilespmem:s25+$0xFFFFFFF0] =	vst v1;
	v1 =	vshll.u32 v4, $0xD;
	v8 =	vmul.u32 $0xFFFFFFCE, v5  }
0x56: {  	[tilespmem:s26+$0x0] =	vst v2;
	v2 =	vadd.s32 v10, v6;
	v4 =	vshll.u32 v5, $0x1;
	v1 =	vadd.s32 v7, v1  }
0x57: {  	s30 =	simm.s32 $0x32C0;
	s1 =	simm.s32 $0x1940;
	s0 =	simm.s32 $0x80;
	[tilespmem:s25+$0x0] =	vst v63;
	v6 =	vshll.u32 v2, $0xD;
	v2 =	vor.u32 $0x1, v1;
	v5 =	vadd.s32 v15, v8  }
.LBB2_2:
0x58: {  	s5 =	sadd.s32 s0, s8  }
0x59: {  	v3 =	vadd.s32 v3, v6;
	v5 =	vshll.u32 v5, $0xD;
	s26 =	sadd.s32 $0x80, s26;
	s21 =	smov.u32 s0;
	s31 =	sadd.s32 $0x80, s0  }
0x5a: {  	v6 =	vmov s5;
	s21 =	sadd.s32 $0x10, s5;
	s22 =	sadd.s32 $0x20, s5;
	s7 =	sadd.s32 $0x70, s5;
	[tilespmem:s1+$0x10] =	vst v3;
	v3 =	vor.u32 $0x1, v3;
	v4 =	vadd.s32 v4, v5  }
0x5b: {  	p0 =	sne.s32 s0, $0x1880;
	s9 =	sadd.s32 $0x60, s5;
	v5 =	vbroadcast v6, $0x0;
	v6 =	vmov s21;
	s21 =	sadd.s32 $0x30, s5;
	[tilespmem:s25+$0x10] =	vst v3;
	v3 =	vor.u32 $0x1, v4  }
0x5c: {  	s0 =	sadd.s32 $0x40, s5;
	v7 =	vmov s22;
	s5 =	sadd.s32 $0x50, s5;
	v8 =	vmov s7;
	v6 =	vbroadcast v6, $0x0;
	[tilespmem:s1+$0x20] =	vst v1  }
0x5d: {  	v9 =	vmov s9;
	v1 =	vor.u32 v0, v5;
	v5 =	vmov s0;
	[tilespmem:s25+$0x20] =	vst v2  }
0x5e: {  	v7 =	vbroadcast v7, $0x0;
	v2 =	vmulhi.u32 $0x51EB851F, v1;
	v6 =	vor.u32 v0, v6;
	[tilespmem:s1+$0x30] =	vst v4;
	s1 =	smov.u32 s26  }
0x5f: {  	v10 =	vmov s21;
	v11 =	vmov s5;
	v4 =	vmulhi.u32 $0x51EB851F, v6;
	[tilespmem:s25+$0x30] =	vst v3;
	s25 =	smov.u32 s30  }
0x60: {  	v3 =	vbroadcast v5, $0x0;
	v5 =	vbroadcast v11, $0x0;
	v2 =	vshrl.u32 v2, $0x4  }
0x61: {  	v10 =	vbroadcast v10, $0x0;
	v11 =	vmul.u32 $0xFFFFFFCE, v2;
	v4 =	vshrl.u32 v4, $0x4  }
0x62: {  	v7 =	vor.u32 v0, v7;
	v3 =	vor.u32 v0, v3;
	v12 =	vmul.u32 $0xFFFFFFCE, v4  }
0x63: {  	v4 =	vshll.u32 v4, $0x1;
	v1 =	vadd.s32 v1, v11;
	v11 =	vmulhi.u32 $0x51EB851F, v7  }
0x64: {  	v2 =	vshll.u32 v2, $0x1;
	v1 =	vshll.u32 v1, $0xD;
	v6 =	vadd.s32 v6, v12  }
0x65: {  	v1 =	vadd.s32 v2, v1;
	v2 =	vshll.u32 v6, $0xD;
	v6 =	vshrl.u32 v11, $0x4  }
0x66: {  	[tilespmem:s26+$0xFFFFFFC0] =	vst v1;
	v1 =	vor.u32 $0x1, v1;
	v2 =	vadd.s32 v4, v2;
	v4 =	vor.u32 v0, v10  }
0x67: {  	v11 =	vmulhi.u32 $0x51EB851F, v3;
	v10 =	vmul.u32 $0xFFFFFFCE, v6;
	[tilespmem:s30+$0xFFFFFFC0] =	vst v1;
	v1 =	vor.u32 $0x1, v2  }
0x68: {  	v5 =	vor.u32 v0, v5;
	[tilespmem:s26+$0xFFFFFFD0] =	vst v2;
	v2 =	vshll.u32 v6, $0x1;
	v6 =	vmulhi.u32 $0x51EB851F, v4  }
0x69: {  	v8 =	vbroadcast v8, $0x0;
	[tilespmem:s30+$0xFFFFFFD0] =	vst v1;
	v1 =	vadd.s32 v7, v10;
	v7 =	vshrl.u32 v11, $0x4  }
0x6a: {  	v11 =	vmulhi.u32 $0x51EB851F, v5;
	v1 =	vshll.u32 v1, $0xD;
	v10 =	vmul.u32 $0xFFFFFFCE, v7  }
0x6b: {  	v1 =	vadd.s32 v2, v1;
	v2 =	vshrl.u32 v6, $0x4;
	v6 =	vbroadcast v9, $0x0  }
0x6c: {  	v8 =	vor.u32 v0, v8;
	v9 =	vor.u32 $0x1, v1;
	v12 =	vmul.u32 $0xFFFFFFCE, v2  }
0x6d: {  	[tilespmem:s26+$0xFFFFFFE0] =	vst v1;
	v1 =	vshll.u32 v2, $0x1;
	v2 =	vadd.s32 v3, v10;
	v6 =	vor.u32 v0, v6  }
0x6e: {  	[tilespmem:s30+$0xFFFFFFE0] =	vst v9;
	v3 =	vadd.s32 v4, v12;
	v4 =	vshll.u32 v7, $0x1;
	v7 =	vmulhi.u32 $0x51EB851F, v6  }
0x6f: {  	v2 =	vshll.u32 v2, $0xD;
	v9 =	vshrl.u32 v11, $0x4;
	v3 =	vshll.u32 v3, $0xD  }
0x70: {  	v2 =	vadd.s32 v4, v2;
	v1 =	vadd.s32 v1, v3;
	v4 =	vshrl.u32 v7, $0x4  }
0x71: {  	v11 =	vmulhi.u32 $0x51EB851F, v8;
	v7 =	vor.u32 $0x1, v2;
	[tilespmem:s26+$0xFFFFFFF0] =	vst v1;
	v10 =	vmul.u32 $0xFFFFFFCE, v4  }
.Ltmp2:
0x72: {  	v3 =	vshll.u32 v9, $0x1;
	v1 =	vor.u32 $0x1, v1;
	v4 =	vshll.u32 v4, $0x1;
	(pc) =	sbr.rel @p0 .LBB2_2-.Ltmp2, $4  }
0x73: {  	[tilespmem:s30+$0xFFFFFFF0] =	vst v1;
	v1 =	vmul.u32 $0xFFFFFFCE, v9;
	v6 =	vadd.s32 v6, v10;
	v9 =	vshrl.u32 v11, $0x4  }
0x74: {  	[tilespmem:s26+$0x0] =	vst v2;
	v2 =	vshll.u32 v6, $0xD;
	v10 =	vmul.u32 $0xFFFFFFCE, v9  }
0x75: {  	[tilespmem:s30+$0x0] =	vst v7;
	v5 =	vadd.s32 v5, v1;
	v1 =	vadd.s32 v4, v2;
	v4 =	vshll.u32 v9, $0x1  }
0x76: {  	s0 =	smov.u32 s31;
	s30 =	sadd.s32 $0x80, s30;
	v6 =	vshll.u32 v5, $0xD;
	v2 =	vor.u32 $0x1, v1;
	v5 =	vadd.s32 v8, v10  }
0x77: {  	v3 =	vadd.s32 v3, v6  }
0x78: {  	[tilespmem:s1+$0x10] =	vst v3;
	v3 =	vor.u32 $0x1, v3  }
0x79: {  	[tilespmem:s25+$0x10] =	vst v3  }
0x7a: {  	v3 =	vshll.u32 v5, $0xD;
	[tilespmem:s1+$0x20] =	vst v1  }
0x7b: {  	v1 =	vadd.s32 v4, v3;
	[tilespmem:s25+$0x20] =	vst v2  }
0x7c: {  	s21 =	simm.s32 $0x0;
	v2 =	vor.u32 $0x1, v1;
	[tilespmem:s1+$0x30] =	vst v1  }
0x7d: {  	s0 =	rddreg [dreg:$0x3];
	s9 =	simm.s32 $0x4B00;
	s22 =	simm.s32 $0x13;
	[tilespmem:s25+$0x30] =	vst v2  }
0x7e: {  	[tilespmem:s9], [sflag:$0x13] =	stream.linear.gather [hbm4b:s0+s21], $0xC80, $0x38;
	[tilespmem:$0x13780] =	vst v63  }
0x7f: {  	_ =	swait.ge [sflag:s22], $0xC80  }
0x80: {  	[sflag:s22] =	ssyncset.done $0x0  }
0x81: {  	s5 =	simm.s32 $0x5780;
	[sflag:s22] =	ssyncadd.s32 $0xFFFFF380  }
0x82: {  	[tilespmem:s5], [sflag:$0x13] =	stream.linear.gather [hbm4b:s0+s21], $0xC80, $0x38;
	[tilespmem:$0x13780] =	vst v63  }
0x83: {  	_ =	swait.ge [sflag:s22], $0xC80  }
0x84: {  	[sflag:s22] =	ssyncset.done $0x0  }
0x85: {  	s25 =	simm.s32 $0x6400;
	[sflag:s22] =	ssyncadd.s32 $0xFFFFF380  }
0x86: {  	[tilespmem:s25], [sflag:$0x13] =	stream.linear.gather [hbm4b:s0+s21], $0xC80, $0x38;
	[tilespmem:$0x13780] =	vst v63  }
0x87: {  	_ =	swait.ge [sflag:s22], $0xC80  }
0x88: {  	[sflag:s22] =	ssyncset.done $0x0  }
.Ltmp3:
0x89: {  	s26 =	simm.s32 $0x7080;
	[sflag:s22] =	ssyncadd.s32 $0xFFFFF380;
	(pc) =	sbr.rel .LBB2_4-.Ltmp3, $4  }
0x8a: {  	[tilespmem:s26], [sflag:$0x13] =	stream.linear.gather [hbm4b:s0+s21], $0x700, $0x38;
	[tilespmem:$0x13780] =	vst v63  }
0x8b: {  	_ =	swait.ge [sflag:s22], $0x700  }
0x8c: {  	s30 =	simm.s32 $0x0;
	[sflag:s22] =	ssyncset.done $0x0  }
0x8d: {  	s31 =	simm.s32 $0x0;
	s26 =	simm.s32 $0x2;
	[sflag:s22] =	ssyncadd.s32 $0xFFFFF900  }
.LBB2_9:
0x8e: {  	[tilespmem:s20], [sflag:$0x2] =	stream.indirect.gather [hbm4b:s4+s16], $0x40, s16, s16, $0xb8;
	[tilespmem:$0x13780] =	vst v63  }
0x8f: {  	s0 =	simm.s32 $0x100;
	s5 =	simm.s32 $0xB780  }
0x90: {  	[tilespmem:s5], [sflag:$0x3] =	stream.indirect.gather [hbm4b:s4+s16], $0x40, s0, s16, $0xb8;
	[tilespmem:$0x13780] =	vst v63  }
0x91: {  	s25 =	simm.s32 $0x0;
	s5 =	simm.s32 $0xFFFFFFFE;
	s0 =	simm.s32 $0x2  }
.LBB2_13:
0x92: {  	s7 =	sadd.s32 $0x180, s1;
	p0 =	por $0x0, $0x0  }
0x93: {  	[tilespmem:s19], [sflag:$0x4] =	stream.indirect.gather [hbm4b:s4+s16], $0x40, s7, s16, $0xb8;
	[tilespmem:$0x13780] =	vst v63  }
.LBB2_14:
0x94: {  	s7 =	sand.u32 $0xFFFE, s25  }
0x95: {  	s7 =	sshrl.u32 s7, $0x1  }
0x96: {  	s7 =	smul.u32 $0x147B, s7  }
0x97: {  	_ =	swait.ge [sflag:s23], $0x2000  }
0x98: {  	[sflag:s23] =	ssyncset.done $0x0;
	s7 =	sshrl.u32 s7, $0x11  }
0x99: {  	s9 =	sadd.s32 $0x1900, s25;
	[sflag:s23] =	ssyncadd.s32 $0xFFFFE000;
	s7 =	smul.u32 $0x32, s7  }
0x9a: {  	[hbm4b:s2+s16] =	stream.indirect.scatter [tilespmem:s17], [sflag:$0x7], $0x40, s9, s16, $0xb8;
	[tilespmem:$0x13780] =	vst v63  }
0x9b: {  	s7 =	ssub.s32 s25, s7  }
0x9c: {  	s7 =	sshll.u32 s7, $0x6  }
0x9d: {  	p1 =	sgt.u32 s5, $0x2B;
	s7 =	sand.u32 $0x3FC0, s7  }
0x9e: {  	s5 =	simm.s32 @!p1 $0xB;
	s25 =	sadd.s32 $0x3200, s25;
	s7 =	sadd.s32 $0x4B00, s7  }
0x9f: {  	[hbm4b:s2+s16] =	stream.indirect.scatter [tilespmem:s7], [sflag:$0xD], $0x40, s25, s16, $0xb8;
	[tilespmem:$0x13780] =	vst v63  }
0xa0: {  	_ =	swait.ge @!p1 [sflag:s5], $0x2000  }
0xa1: {  	[sflag:s5] =	ssyncset.done @!p1 $0x0  }
0xa2: {  	[sflag:s5] =	ssyncadd.s32 @!p1 $0xFFFFE000;
	s5 =	simm.s32 @!p1 $0x11  }
0xa3: {  	_ =	swait.ge @!p1 [sflag:s5], $0x2000  }
0xa4: {  	s9 =	simm.s32 @!p0 $0xF780;
	[sflag:s5] =	ssyncset.done @!p1 $0x0  }
0xa5: {  	s7 =	simm.s32 @!p0 $0x80;
	[sflag:s5] =	ssyncadd.s32 @!p1 $0xFFFFE000;
	s5 =	sadd.s32 @!p0 $0x200, s1  }
0xa6: {  	[tilespmem:s9], [sflag:$0x5] =	stream.indirect.gather @!p0 [hbm4b:s4+s7], $0x40, s5, s7, $0xb8;
	[tilespmem:$0x13780] =	vst v63  }
0xa7: {  	s5 =	sadd.s32 $0x80, s21  }
0xa8: {  	s22 =	sand.u32 $0xFFFE, s5  }
0xa9: {  	s9 =	sshrl.u32 s22, $0x1  }
0xaa: {  	s9 =	smul.u32 $0x147B, s9  }
0xab: {  	_ =	swait.ge [sflag:s24], $0x2000  }
0xac: {  	[sflag:s24] =	ssyncset.done $0x0;
	s22 =	sshra.s32 s30, $0x2;
	s9 =	sshrl.u32 s9, $0x11  }
0xad: {  	[sflag:s24] =	ssyncadd.s32 $0xFFFFE000;
	s25 =	sadd.s32 $0x1980, s22;
	s9 =	smul.u32 $0x32, s9  }
0xae: {  	[hbm4b:s2+s16] =	stream.indirect.scatter [tilespmem:s20], [sflag:$0x8], $0x40, s25, s16, $0xb8;
	[tilespmem:$0x13780] =	vst v63  }
0xaf: {  	s5 =	ssub.s32 s5, s9  }
0xb0: {  	s5 =	sshll.u32 s5, $0x6  }
0xb1: {  	s5 =	sand.u32 $0x3FC0, s5  }
0xb2: {  	s25 =	sadd.s32 $0x3280, s22;
	s5 =	sadd.s32 $0x4B00, s5  }
0xb3: {  	[hbm4b:s2+s16] =	stream.indirect.scatter [tilespmem:s5], [sflag:$0xE], $0x40, s25, s16, $0xb8;
	[tilespmem:$0x13780] =	vst v63  }
0xb4: {  	s5 =	simm.s32 @!p1 $0xC  }
0xb5: {  	_ =	swait.ge @!p1 [sflag:s5], $0x2000  }
0xb6: {  	[sflag:s5] =	ssyncset.done @!p1 $0x0  }
0xb7: {  	[sflag:s5] =	ssyncadd.s32 @!p1 $0xFFFFE000;
	s5 =	simm.s32 @!p1 $0x12  }
0xb8: {  	_ =	swait.ge @!p1 [sflag:s5], $0x2000  }
0xb9: {  	[sflag:s5] =	ssyncset.done @!p1 $0x0  }
0xba: {  	s1 =	sadd.s32 @!p0 $0x280, s1;
	[sflag:s5] =	ssyncadd.s32 @!p1 $0xFFFFE000;
	s5 =	simm.s32 @!p0 $0x11780  }
0xbb: {  	[tilespmem:s5], [sflag:$0x6] =	stream.indirect.gather @!p0 [hbm4b:s4+s7], $0x40, s1, s7, $0xb8;
	[tilespmem:$0x13780] =	vst v63  }
0xbc: {  	s1 =	sshll.u32 @!p0 s0, $0x6  }
0xbd: {  	s1 =	sand.u32 @!p0 $0x7FC0, s1  }
0xbe: {  	s5 =	simm.s32 @!p0 $0x3;
	s1 =	smul.u32 @!p0 $0x147B, s1  }
0xbf: {  	s9 =	simm.s32 @!p0 $0xB780;
	_ =	swait.ge @!p0 [sflag:s5], $0x2000  }
0xc0: {  	s0 =	sshll.u32 @!p0 s0, $0x7;
	[sflag:s5] =	ssyncset.done @!p0 $0x0;
	s1 =	sshrl.u32 @!p0 s1, $0x11  }
0xc1: {  	[sflag:s5] =	ssyncadd.s32 @!p0 $0xFFFFE000;
	s5 =	sadd.s32 @!p0 $0x1900, s0;
	s1 =	smul.u32 @!p0 $0x32, s1  }
0xc2: {  	[hbm4b:s2+s7] =	stream.indirect.scatter @!p0 [tilespmem:s9], [sflag:$0x9], $0x40, s5, s7, $0xb8;
	[tilespmem:$0x13780] =	vst v63  }
0xc3: {  	s1 =	ssub.s32 @!p0 s0, s1  }
0xc4: {  	s1 =	sshll.u32 @!p0 s1, $0x6  }
0xc5: {  	s1 =	sand.u32 @!p0 $0x3F80, s1  }
0xc6: {  	s30 =	sadd.s32 $0xC00, s30;
	s0 =	sadd.s32 @!p0 $0x3200, s0;
	s1 =	sadd.s32 @!p0 $0x4B00, s1  }
0xc7: {  	[hbm4b:s2+s7] =	stream.indirect.scatter @!p0 [tilespmem:s1], [sflag:$0xF], $0x40, s0, s7, $0xb8;
	[tilespmem:$0x13780] =	vst v63  }
0xc8: {  	p0 =	sne.s32 s30, $0x6C00  }
.Ltmp4:
0xc9: {  	_ = 	snop;
	(pc) =	sbr.rel @!p0 .LBB2_15-.Ltmp4, $2  }
0xca: {  	_ =	sdelay $0x2  }
0xcb: {  	s31 =	sadd.s32 $0x1, s31;
	s26 =	sadd.s32 $0x6, s26;
	s21 =	sadd.s32 $0x300, s21  }
.LBB2_4:
0xcc: {  	s0 =	sadd.s32 $0xFFFFFFF8, s26  }
0xcd: {  	p0 =	sgt.u32 s0, $0x2B  }
.Ltmp5:
0xce: {  	_ = 	snop;
	(pc) =	sbr.rel @p0 .LBB2_6-.Ltmp5, $1  }
0xcf: {  	_ =	sdelay $0x3  }
0xd0: {  	_ =	swait.ge [sflag:s14], $0x2000  }
0xd1: {  	[sflag:s14] =	ssyncset.done $0x0  }
0xd2: {  	[sflag:s14] =	ssyncadd.s32 $0xFFFFE000  }
.Ltmp6:
0xd3: {  	_ =	swait.ge [sflag:s15], $0x2000;
	(pc) =	sbr.rel .LBB2_7-.Ltmp6, $4  }
0xd4: {  	[sflag:s15] =	ssyncset.done $0x0  }
0xd5: {  	s0 =	smul.u32 $0xC00, s31;
	s1 =	sshra.s32 s30, $0x2;
	[sflag:s15] =	ssyncadd.s32 $0xFFFFE000  }
0xd6: {  	[tilespmem:s17], [sflag:$0x1] =	stream.indirect.gather [hbm4b:s4+s16], $0x40, s1, s16, $0xb8;
	[tilespmem:$0x13780] =	vst v63  }
0xd7: {  	s1 =	sshra.s32 s0, $0x2  }
.LBB2_6:
0xd8: {  	s0 =	sadd.s32 $0xFFFFFFFB, s26  }
0xd9: {  	p0 =	sgt.u32 s0, $0x31  }
.Ltmp7:
0xda: {  	_ = 	snop;
	(pc) =	sbr.rel @p0 .LBB2_8-.Ltmp7, $3  }
0xdb: {  	_ =	sdelay $0x1  }
0xdc: {  	s1 =	sshra.s32 s30, $0x2  }
0xdd: {  	[tilespmem:s17], [sflag:$0x1] =	stream.indirect.gather [hbm4b:s4+s16], $0x40, s1, s16, $0xb8;
	[tilespmem:$0x13780] =	vst v63  }
.LBB2_7:
0xde: {  	s0 =	sadd.s32 $0xFFFFFE80, s21  }
0xdf: {  	s5 =	sand.u32 $0xFFFE, s0  }
0xe0: {  	s5 =	sshrl.u32 s5, $0x1  }
0xe1: {  	s5 =	smul.u32 $0x147B, s5  }
0xe2: {  	_ =	swait.ge [sflag:s18], $0x2000  }
0xe3: {  	s7 =	sshra.s32 s30, $0x2;
	[sflag:s18] =	ssyncset.done $0x0;
	s5 =	sshrl.u32 s5, $0x11  }
0xe4: {  	s9 =	sadd.s32 $0x1780, s7;
	[sflag:s18] =	ssyncadd.s32 $0xFFFFE000;
	s5 =	smul.u32 $0x32, s5  }
0xe5: {  	[hbm4b:s2+s16] =	stream.indirect.scatter [tilespmem:s19], [sflag:$0xA], $0x40, s9, s16, $0xb8;
	[tilespmem:$0x13780] =	vst v63  }
0xe6: {  	s0 =	ssub.s32 s0, s5  }
0xe7: {  	s0 =	sshll.u32 s0, $0x6  }
0xe8: {  	s0 =	sand.u32 $0x3FC0, s0  }
0xe9: {  	s25 =	sadd.s32 $0x3080, s7;
	s0 =	sadd.s32 $0x4B00, s0  }
0xea: {  	[hbm4b:s2+s16] =	stream.indirect.scatter [tilespmem:s0], [sflag:$0x10], $0x40, s25, s16, $0xb8;
	[tilespmem:$0x13780] =	vst v63  }
.LBB2_8:
0xeb: {  	p0 =	sne.s32 s30, $0x0  }
.Ltmp8:
0xec: {  	_ = 	snop;
	(pc) =	sbr.rel @!p0 .LBB2_9-.Ltmp8, $1  }
0xed: {  	_ =	sdelay $0x3  }
0xee: {  	_ =	swait.ge [sflag:s10], $0x2000;
	s22 =	sadd.s32 $0xFFFFFF00, s21  }
0xef: {  	[sflag:s10] =	ssyncset.done $0x0;
	s7 =	sand.u32 $0xFFFE, s22  }
0xf0: {  	[sflag:s10] =	ssyncadd.s32 $0xFFFFE000;
	s7 =	sshrl.u32 s7, $0x1  }
0xf1: {  	_ =	swait.ge [sflag:s11], $0x2000;
	s7 =	smul.u32 $0x147B, s7  }
0xf2: {  	s0 =	sshra.s32 s30, $0x2;
	[sflag:s11] =	ssyncset.done $0x0  }
0xf3: {  	s5 =	sadd.s32 $0x80, s0;
	[sflag:s11] =	ssyncadd.s32 $0xFFFFE000;
	s7 =	sshrl.u32 s7, $0x11  }
0xf4: {  	[tilespmem:s20], [sflag:$0x2] =	stream.indirect.gather [hbm4b:s4+s16], $0x40, s5, s16, $0xb8;
	[tilespmem:$0x13780] =	vst v63  }
0xf5: {  	s7 =	smul.u32 $0x32, s7  }
0xf6: {  	_ =	swait.ge [sflag:s3], $0x2000  }
0xf7: {  	[sflag:s3] =	ssyncset.done $0x0;
	s5 =	ssub.s32 s22, s7  }
0xf8: {  	s9 =	sadd.s32 $0x1800, s0;
	[sflag:s3] =	ssyncadd.s32 $0xFFFFE000;
	s5 =	sshll.u32 s5, $0x6  }
0xf9: {  	[hbm4b:s2+s16] =	stream.indirect.scatter [tilespmem:s12], [sflag:$0xB], $0x40, s9, s16, $0xb8;
	[tilespmem:$0x13780] =	vst v63  }
0xfa: {  	s5 =	sand.u32 $0x3FC0, s5;
	s9 =	sadd.s32 $0xFFFFFFCE, s26  }
0xfb: {  	s25 =	sadd.s32 $0x3100, s0;
	s5 =	sadd.s32 $0x4B00, s5;
	p1 =	slt.u32 s9, $0xFFFFFFD4  }
0xfc: {  	[hbm4b:s2+s16] =	stream.indirect.scatter [tilespmem:s5], [sflag:$0x11], $0x40, s25, s16, $0xb8;
	[tilespmem:$0x13780] =	vst v63  }
0xfd: {  	s5 =	simm.s32 @!p1 $0x9  }
0xfe: {  	_ =	swait.ge @!p1 [sflag:s5], $0x2000  }
0xff: {  	[sflag:s5] =	ssyncset.done @!p1 $0x0  }
0x100: {  	[sflag:s5] =	ssyncadd.s32 @!p1 $0xFFFFE000;
	s5 =	simm.s32 @!p1 $0xF  }
0x101: {  	_ =	swait.ge @!p1 [sflag:s5], $0x2000  }
0x102: {  	[sflag:s5] =	ssyncset.done @!p1 $0x0  }
0x103: {  	[sflag:s5] =	ssyncadd.s32 @!p1 $0xFFFFE000;
	s5 =	sshra.s32 @!p1 s30, $0x2  }
0x104: {  	s7 =	simm.s32 @!p1 $0x80;
	s9 =	simm.s32 @!p1 $0xB780;
	s5 =	sadd.s32 @!p1 $0x100, s5  }
0x105: {  	[tilespmem:s9], [sflag:$0x3] =	stream.indirect.gather @!p1 [hbm4b:s4+s7], $0x40, s5, s7, $0xb8;
	[tilespmem:$0x13780] =	vst v63  }
0x106: {  	s5 =	sadd.s32 $0xFFFFFF80, s21  }
0x107: {  	s22 =	sand.u32 $0xFFFE, s5  }
0x108: {  	s7 =	sshrl.u32 s22, $0x1  }
0x109: {  	s7 =	smul.u32 $0x147B, s7  }
0x10a: {  	_ =	swait.ge [sflag:s13], $0x2000  }
0x10b: {  	[sflag:s13] =	ssyncset.done $0x0;
	s7 =	sshrl.u32 s7, $0x11  }
0x10c: {  	s25 =	sadd.s32 $0x1880, s0;
	[sflag:s13] =	ssyncadd.s32 $0xFFFFE000;
	s7 =	smul.u32 $0x32, s7  }
0x10d: {  	[hbm4b:s2+s16] =	stream.indirect.scatter [tilespmem:s6], [sflag:$0xC], $0x40, s25, s16, $0xb8;
	[tilespmem:$0x13780] =	vst v63  }
0x10e: {  	s5 =	ssub.s32 s5, s7  }
.Ltmp9:
0x10f: {  	s5 =	sshll.u32 s5, $0x6;
	(pc) =	sbr.rel @!p1 .LBB2_12-.Ltmp9, $4  }
0x110: {  	s5 =	sand.u32 $0x3FC0, s5  }
0x111: {  	s0 =	sadd.s32 $0x3180, s0;
	s5 =	sadd.s32 $0x4B00, s5  }
0x112: {  	[hbm4b:s2+s16] =	stream.indirect.scatter [tilespmem:s5], [sflag:$0x12], $0x40, s0, s16, $0xb8;
	[tilespmem:$0x13780] =	vst v63  }
0x113: {  	p0 =	por $0x1, $0x1;
	s5 =	sadd.s32 $0xFFFFFFFC, s26  }
.Ltmp10:
0x114: {  	(pc) =	sbr.rel .LBB2_14-.Ltmp10, $2  }
0x115: {  	_ =	sdelay $0x2  }
0x116: {  	s25 =	smov.u32 s21;
	s0 =	smov.u32 s26  }
.LBB2_12:
0x117: {  	_ =	swait.ge [sflag:s28], $0x2000  }
.Ltmp11:
0x118: {  	[sflag:s28] =	ssyncset.done $0x0;
	(pc) =	sbr.rel .LBB2_13-.Ltmp11, $4  }
0x119: {  	[sflag:s28] =	ssyncadd.s32 $0xFFFFE000  }
0x11a: {  	_ =	swait.ge [sflag:s29], $0x2000  }
0x11b: {  	[sflag:s29] =	ssyncset.done $0x0  }
0x11c: {  	s25 =	smov.u32 s21;
	s0 =	smov.u32 s26;
	[sflag:s29] =	ssyncadd.s32 $0xFFFFE000  }
.LBB2_16:
0x11d: {  	_ =	sfence.sel $0x180000  }
0x11e: {  	[bflag:$0x0] =	sbarrier.arrive $0xFFFF  }
0x11f: {  	_ =	strace $0x90000047  }
0x120: {  	s0 =	stileid.u32;
	[bflag:$0x2] =	sbarrier.arrive $0xFFFF  }
0x121: {  	p0 =	sne.s32 s0, $0x0;
	s0 =	rddreg [dreg:$0x2]  }
0x122: {  	s0 =	sadd.s32 @!p0 $0x100000, s0  }
0x123: {  	[sflag:s0] =	ssyncadd.tile.s32 @!p0 $0x1;
	_ =	shalt  }
.Lfunc_end2:
_tile_overlayer_lowered:
.L_overlay_start_2:
0x124: {  	(tag) =	ssettag $0x2  }
0x125: {  	s0 =	rddreg [dreg:$0x0];
	s2 =	stileid.u32  }
0x126: {  	s1 =	rddreg [dreg:$0x1];
	p0 =	sne.s32 s2, $0x0  }
0x127: {  	s3 =	rddreg [dreg:$0x2];
	[bflag:$0x3] =	sbarrier.arrive $0xFFFF;
	s2 =	simm.s32 @!p0 $0x1C13  }
0x128: {  	[timem:s3], [sflag:s2] =	dma.local @!p0 [hbm:s0], s1  }
0x129: {  	s0 =	simm.s32 @!p0 $0x13  }
0x12a: {  	_ =	swait.ge @!p0 [sflag:s0], s1  }
0x12b: {  	s1 =	ssub.s32 @!p0 $0x0, s1;
	[sflag:s0] =	ssyncset.done @!p0 $0x0  }
0x12c: {  	[sflag:s0] =	ssyncadd.s32 @!p0 s1  }
0x12d: {  	[bflag:$0x3] =	sbarrier.arrive $0xFFFF  }
0x12e: {  	_ =	shalt  }

</sc_bundles>
